<compile_context>
chip_gen: v7x
topology: tpu7x:2x2x1
jax: 0.10.2.dev20260603
libtpu: 0.0.44.dev20260713+nightly
codegen_flags: <defaults>
</compile_context>

<pallas_src>
import functools

import jax
import jax.numpy as jnp
from jax import lax
from jax.experimental import pallas as pl
from jax.experimental.pallas import tpu as pltpu
from jax.experimental.pallas import tpu_sc as plsc

N_NODES = 10000
N_EDGES = 320000
D_IN = 128
D_HID = 64
D_OUT = 128

NC = 2
NS = 16
NW = NC * NS
EPW = N_EDGES // NW
D_AUG = 80
GROUP1 = 250
NCHUNK1 = EPW // GROUP1
GROUP2 = 500
NCHUNK2 = EPW // GROUP2
N_PAD = 10240
ROWS_PER_SUB = N_PAD // NS

_mesh = plsc.VectorSubcoreMesh(core_axis_name="c", subcore_axis_name="s")


def _seg_body(y_hbm, src_hbm, dst_hbm, z_hbm,
              out_hbm, src_v, dst_v, rows_v,
              acc_sh, sems, nchunk):
    cid = lax.axis_index("c")
    sid = lax.axis_index("s")
    wid = sid * NC + cid
    row0 = sid * ROWS_PER_SUB

    stage = [(z_hbm, acc_sh.at[pl.ds(row0, ROWS_PER_SUB)]),
             (src_hbm.at[wid], src_v),
             (dst_hbm.at[wid], dst_v)]
    for s, d in stage:
        pltpu.async_copy(s, d, sems[2])
    for s, d in stage:
        pltpu.make_async_copy(s, d, sems[2]).wait()
    plsc.subcore_barrier()

    def body(i, carry):
        for b in range(2):
            c = i * 2 + b
            cp = jnp.maximum(c - 2, 0)

            @pl.when(c >= 2)
            def _():
                pltpu.make_async_copy(rows_v.at[b], acc_sh.at[dst_v.at[cp]],
                                      sems[b]).wait()

            pltpu.async_copy(y_hbm.at[src_v.at[c]], rows_v.at[b],
                             sems[2]).wait()
            pltpu.async_copy(rows_v.at[b], acc_sh.at[dst_v.at[c]], sems[b],
                             add=True)
        return carry

    lax.fori_loop(0, nchunk // 2, body, 0)
    for b in range(2):
        pltpu.make_async_copy(rows_v.at[b],
                              acc_sh.at[dst_v.at[nchunk - 2 + b]],
                              sems[b]).wait()
    plsc.subcore_barrier()

    pltpu.sync_copy(acc_sh.at[pl.ds(row0, ROWS_PER_SUB)],
                    out_hbm.at[cid, pl.ds(row0, ROWS_PER_SUB)])


@functools.partial(
    pl.kernel,
    out_type=jax.ShapeDtypeStruct((NC, N_PAD, D_AUG), jnp.float32),
    mesh=_mesh,
    scratch_types=[
        pltpu.VMEM((NCHUNK1, GROUP1), jnp.int32),
        pltpu.VMEM((NCHUNK1, GROUP1), jnp.int32),
        pltpu.VMEM((2, GROUP1, D_AUG), jnp.float32),
        pltpu.VMEM_SHARED((N_PAD, D_AUG), jnp.float32),
        pltpu.SemaphoreType.DMA,
        pltpu.SemaphoreType.DMA,
        pltpu.SemaphoreType.DMA,
    ],
    compiler_params=pltpu.CompilerParams(use_tc_tiling_on_sc=False),
)
def _sc_seg_aug(y_hbm, src_hbm, dst_hbm, z_hbm,
                out_hbm, src_v, dst_v, rows_v,
                acc_sh, sem0, sem1, sem2):
    _seg_body(y_hbm, src_hbm, dst_hbm, z_hbm,
              out_hbm, src_v, dst_v, rows_v,
              acc_sh, [sem0, sem1, sem2], NCHUNK1)


@functools.partial(
    pl.kernel,
    out_type=jax.ShapeDtypeStruct((NC, N_PAD, D_HID), jnp.float32),
    mesh=_mesh,
    scratch_types=[
        pltpu.VMEM((NCHUNK2, GROUP2), jnp.int32),
        pltpu.VMEM((NCHUNK2, GROUP2), jnp.int32),
        pltpu.VMEM((2, GROUP2, D_HID), jnp.float32),
        pltpu.VMEM_SHARED((N_PAD, D_HID), jnp.float32),
        pltpu.SemaphoreType.DMA,
        pltpu.SemaphoreType.DMA,
        pltpu.SemaphoreType.DMA,
    ],
    compiler_params=pltpu.CompilerParams(use_tc_tiling_on_sc=False),
)
def _sc_seg(y_hbm, src_hbm, dst_hbm, z_hbm, out_hbm,
            src_v, dst_v, rows_v, acc_sh, sem0, sem1, sem2):
    _seg_body(y_hbm, src_hbm, dst_hbm, z_hbm,
              out_hbm, src_v, dst_v, rows_v,
              acc_sh, [sem0, sem1, sem2], NCHUNK2)


def _tc_a_body(x_ref, wl1_ref, wr1_ref, bl1_ref, y1_ref, r1_ref):
    x = x_ref[...]
    dn = (((1,), (1,)), ((), ()))
    y = lax.dot_general(x, wl1_ref[...], dn,
                        preferred_element_type=jnp.float32)
    y1_ref[...] = jnp.concatenate(
        [y, jnp.ones((N_NODES, 1), jnp.float32),
         jnp.zeros((N_NODES, D_AUG - D_HID - 1), jnp.float32)], axis=1)
    r1_ref[...] = lax.dot_general(x, wr1_ref[...], dn,
                                  preferred_element_type=jnp.float32) + bl1_ref[...]


_tc_a = pl.pallas_call(
    _tc_a_body,
    out_shape=(jax.ShapeDtypeStruct((N_NODES, D_AUG), jnp.float32),
               jax.ShapeDtypeStruct((N_NODES, D_HID), jnp.float32)),
)


def _tc_b_body(s1_ref, r1_ref, wr2_ref, bl2_ref, h_ref, r2_ref, inv_ref):
    s = (s1_ref[0] + s1_ref[1])[:N_NODES]
    inv = 1.0 / jnp.maximum(s[:, D_HID:D_HID + 1], 1.0)
    agg = s[:, :D_HID] * inv
    h = jnp.maximum(agg + r1_ref[...], 0.0)
    h_ref[...] = h
    dn = (((1,), (1,)), ((), ()))
    r2_ref[...] = lax.dot_general(h, wr2_ref[...], dn,
                                  preferred_element_type=jnp.float32) + bl2_ref[...]
    inv_ref[...] = jnp.broadcast_to(inv, (N_NODES, 8))


_tc_b = pl.pallas_call(
    _tc_b_body,
    out_shape=(jax.ShapeDtypeStruct((N_NODES, D_HID), jnp.float32),
               jax.ShapeDtypeStruct((N_NODES, D_OUT), jnp.float32),
               jax.ShapeDtypeStruct((N_NODES, 8), jnp.float32)),
)


def _tc_c_body(s2_ref, inv_ref, r2_ref, wl2_ref, out_ref):
    s = (s2_ref[0] + s2_ref[1])[:N_NODES]
    agg = s * inv_ref[:, 0:1]
    dn = (((1,), (1,)), ((), ()))
    z = lax.dot_general(agg, wl2_ref[...], dn,
                        preferred_element_type=jnp.float32) + r2_ref[...]
    m = jnp.max(z, axis=1, keepdims=True)
    lse = jnp.log(jnp.sum(jnp.exp(z - m), axis=1, keepdims=True)) + m
    out_ref[...] = z - lse


_tc_c = pl.pallas_call(
    _tc_c_body,
    out_shape=jax.ShapeDtypeStruct((N_NODES, D_OUT), jnp.float32),
)


def kernel(x, edge_index, Wl1, bl1, Wr1, Wl2, bl2, Wr2):
    ei = edge_index.astype(jnp.int32)
    src1 = ei[0].reshape(NW, NCHUNK1, GROUP1)
    dst1 = ei[1].reshape(NW, NCHUNK1, GROUP1)
    src2 = ei[0].reshape(NW, NCHUNK2, GROUP2)
    dst2 = ei[1].reshape(NW, NCHUNK2, GROUP2)
    z80 = jnp.zeros((ROWS_PER_SUB, D_AUG), jnp.float32)
    z64 = jnp.zeros((ROWS_PER_SUB, D_HID), jnp.float32)

    y1, r1 = _tc_a(x, Wl1, Wr1, bl1.reshape(1, D_HID))
    s1 = _sc_seg_aug(y1, src1, dst1, z80)
    h, r2, inv = _tc_b(s1, r1, Wr2, bl2.reshape(1, D_OUT))
    s2 = _sc_seg(h, src2, dst2, z64)
    return _tc_c(s2, inv, r2, Wl2)

# --- scband reference (transcript-rebuilt; emitter-appended) ---
"""Pipeline reference for scband-sage-63239098466920 (READ-ONLY COPY).

The authoritative reference and input builder live on the scoring server;
editing this copy changes nothing except your own understanding.
"""

import jax, jax.numpy as jnp
import numpy as np

N_NODES = 10000
N_EDGES = 320000
D_IN = 128
D_HID = 64
D_OUT = 128


def setup_inputs(seed: int = 0) -> dict:
    key = jax.random.key(seed)
    ks = jax.random.split(key, 8)
    x = jax.random.normal(ks[0], (N_NODES, D_IN), dtype=jnp.float32)
    edge_index = jax.random.randint(ks[1], (2, N_EDGES), 0, N_NODES, dtype=jnp.int64)
    s1 = 1.0 / np.sqrt(D_IN)
    s2 = 1.0 / np.sqrt(D_HID)
    Wl1 = jax.random.uniform(ks[2], (D_HID, D_IN), jnp.float32, -s1, s1)
    bl1 = jax.random.uniform(ks[3], (D_HID,), jnp.float32, -s1, s1)
    Wr1 = jax.random.uniform(ks[4], (D_HID, D_IN), jnp.float32, -s1, s1)
    Wl2 = jax.random.uniform(ks[5], (D_OUT, D_HID), jnp.float32, -s2, s2)
    bl2 = jax.random.uniform(ks[6], (D_OUT,), jnp.float32, -s2, s2)
    Wr2 = jax.random.uniform(ks[7], (D_OUT, D_HID), jnp.float32, -s2, s2)
    return {"x": x, "edge_index": edge_index, "Wl1": Wl1, "bl1": bl1, "Wr1": Wr1, "Wl2": Wl2, "bl2": bl2, "Wr2": Wr2}


def _sage_conv(x, src, dst, Wl, bl, Wr):
    # PyG SAGEConv with mean aggregation:
    # out = lin_l(mean_{j in N(i)} x_j) + lin_r(x_i)
    msg = x[src]
    agg = jax.ops.segment_sum(msg, dst, num_segments=x.shape[0])
    cnt = jax.ops.segment_sum(jnp.ones((src.shape[0],), dtype=x.dtype), dst, num_segments=x.shape[0])
    agg = agg / jnp.maximum(cnt, 1.0)[:, None]
    return agg @ Wl.T + bl + x @ Wr.T


def reference(x, edge_index, Wl1, bl1, Wr1, Wl2, bl2, Wr2):
    src = edge_index[0]
    dst = edge_index[1]
    h = _sage_conv(x, src, dst, Wl1, bl1, Wr1)
    h = jax.nn.relu(h)
    # dropout is identity in eval mode (deterministic reference)
    out = _sage_conv(h, src, dst, Wl2, bl2, Wr2)
    return jax.nn.log_softmax(out, axis=1)

if __name__ == "__main__":
    import jax
    _d = setup_inputs()
    print(jax.jit(kernel)(*tuple(_d.values())))

</pallas_src>

<mosaic_0001>
#map = affine_map<(d0, d1) -> (0, 0)>
#map1 = affine_map<(d0, d1) -> (0, 0, 0)>
module attributes {stable_mosaic.version = 14 : i64} {
  func.func @_sc_seg(%arg0: i32, %arg1: i32, %arg2: memref<10000x64xf32, #tpu.memory_space<hbm>>, %arg3: memref<32x20x500xi32, #tpu.memory_space<hbm>>, %arg4: memref<32x20x500xi32, #tpu.memory_space<hbm>>, %arg5: memref<640x64xf32, #tpu.memory_space<hbm>>, %arg6: memref<2x10240x64xf32, #tpu.memory_space<hbm>>, %arg7: memref<20x500xi32, #tpu.memory_space<vmem>>, %arg8: memref<20x500xi32, #tpu.memory_space<vmem>>, %arg9: memref<2x500x64xf32, #tpu.memory_space<vmem>>, %arg10: memref<10240x64xf32, #tpu.memory_space<vmem_shared>>, %arg11: memref<!tpu.dma_semaphore, #tpu.memory_space<semaphore_mem>>, %arg12: memref<!tpu.dma_semaphore, #tpu.memory_space<semaphore_mem>>, %arg13: memref<!tpu.dma_semaphore, #tpu.memory_space<semaphore_mem>>) attributes {dimension_semantics = [#tpu.dimension_semantics<core_parallel>, #tpu.dimension_semantics<subcore_parallel>], iteration_bounds = array<i64: 2, 16>, scalar_prefetch = 0 : i64, scratch_operands = 7 : i64, tpu.core_type = #tpu.core_type<sc_vector_subcore>, window_params = [{transform_indices = #map}, {transform_indices = #map1}, {transform_indices = #map1}, {transform_indices = #map}, {transform_indices = #map1}]} {
    %mul3A = arith.constant 2 : i32
    %mul3A_0 = arith.muli %arg1, %mul3A : i32
    %add3A = arith.addi %mul3A_0, %arg0 : i32
    %mul3A_1 = arith.constant 640 : i32
    %mul3A_2 = arith.muli %arg1, %mul3A_1 : i32
    %dma_start3A = arith.constant 0 : i32
    %dma_start3A_3 = tpu.memref_slice %arg10[%mul3A_2, %dma_start3A] : memref<10240x64xf32, #tpu.memory_space<vmem_shared>> -> memref<640x64xf32, #tpu.memory_space<vmem_shared>>
    tpu.enqueue_dma source(%arg5 : memref<640x64xf32, #tpu.memory_space<hbm>>) target(%dma_start3A_3 : memref<640x64xf32, #tpu.memory_space<vmem_shared>>) target_semaphore(%arg13 : memref<!tpu.dma_semaphore, #tpu.memory_space<semaphore_mem>>)
    %dma_start3A_4 = arith.constant 0 : i32
    %dma_start3A_5 = arith.constant 0 : i32
    %dma_start3A_6 = tpu.memref_slice %arg3[%add3A, %dma_start3A_4, %dma_start3A_5] : memref<32x20x500xi32, #tpu.memory_space<hbm>> -> memref<1x20x500xi32, #tpu.memory_space<hbm>>
    %dma_start3A_7 = tpu.memref_squeeze %dma_start3A_6 : memref<1x20x500xi32, #tpu.memory_space<hbm>> -> memref<20x500xi32, #tpu.memory_space<hbm>>
    %dma_start3A_8 = arith.constant 0 : i32
    %dma_start3A_9 = arith.constant 0 : i32
    %dma_start3A_10 = tpu.memref_slice %arg3[%add3A, %dma_start3A_8, %dma_start3A_9] : memref<32x20x500xi32, #tpu.memory_space<hbm>> -> memref<1x20x500xi32, #tpu.memory_space<hbm>>
    %dma_start3A_11 = tpu.memref_squeeze %dma_start3A_10 : memref<1x20x500xi32, #tpu.memory_space<hbm>> -> memref<20x500xi32, #tpu.memory_space<hbm>>
    tpu.enqueue_dma source(%dma_start3A_11 : memref<20x500xi32, #tpu.memory_space<hbm>>) target(%arg7 : memref<20x500xi32, #tpu.memory_space<vmem>>) target_semaphore(%arg13 : memref<!tpu.dma_semaphore, #tpu.memory_space<semaphore_mem>>)
    %dma_start3A_12 = arith.constant 0 : i32
    %dma_start3A_13 = arith.constant 0 : i32
    %dma_start3A_14 = tpu.memref_slice %arg4[%add3A, %dma_start3A_12, %dma_start3A_13] : memref<32x20x500xi32, #tpu.memory_space<hbm>> -> memref<1x20x500xi32, #tpu.memory_space<hbm>>
    %dma_start3A_15 = tpu.memref_squeeze %dma_start3A_14 : memref<1x20x500xi32, #tpu.memory_space<hbm>> -> memref<20x500xi32, #tpu.memory_space<hbm>>
    %dma_start3A_16 = arith.constant 0 : i32
    %dma_start3A_17 = arith.constant 0 : i32
    %dma_start3A_18 = tpu.memref_slice %arg4[%add3A, %dma_start3A_16, %dma_start3A_17] : memref<32x20x500xi32, #tpu.memory_space<hbm>> -> memref<1x20x500xi32, #tpu.memory_space<hbm>>
    %dma_start3A_19 = tpu.memref_squeeze %dma_start3A_18 : memref<1x20x500xi32, #tpu.memory_space<hbm>> -> memref<20x500xi32, #tpu.memory_space<hbm>>
    tpu.enqueue_dma source(%dma_start3A_19 : memref<20x500xi32, #tpu.memory_space<hbm>>) target(%arg8 : memref<20x500xi32, #tpu.memory_space<vmem>>) target_semaphore(%arg13 : memref<!tpu.dma_semaphore, #tpu.memory_space<semaphore_mem>>)
    %dma_wait3A = arith.constant 0 : i32
    %dma_wait3A_20 = tpu.memref_slice %arg10[%mul3A_2, %dma_wait3A] : memref<10240x64xf32, #tpu.memory_space<vmem_shared>> -> memref<640x64xf32, #tpu.memory_space<vmem_shared>>
    tpu.wait_dma2 semaphore(%arg13 : memref<!tpu.dma_semaphore, #tpu.memory_space<semaphore_mem>>) src(%arg5 : memref<640x64xf32, #tpu.memory_space<hbm>>) dst(%dma_wait3A_20 : memref<640x64xf32, #tpu.memory_space<vmem_shared>>)
    %dma_wait3A_21 = arith.constant 0 : i32
    %dma_wait3A_22 = arith.constant 0 : i32
    %dma_wait3A_23 = tpu.memref_slice %arg3[%add3A, %dma_wait3A_21, %dma_wait3A_22] : memref<32x20x500xi32, #tpu.memory_space<hbm>> -> memref<1x20x500xi32, #tpu.memory_space<hbm>>
    %dma_wait3A_24 = tpu.memref_squeeze %dma_wait3A_23 : memref<1x20x500xi32, #tpu.memory_space<hbm>> -> memref<20x500xi32, #tpu.memory_space<hbm>>
    %dma_wait3A_25 = arith.constant 0 : i32
    %dma_wait3A_26 = arith.constant 0 : i32
    %dma_wait3A_27 = tpu.memref_slice %arg3[%add3A, %dma_wait3A_25, %dma_wait3A_26] : memref<32x20x500xi32, #tpu.memory_space<hbm>> -> memref<1x20x500xi32, #tpu.memory_space<hbm>>
    %dma_wait3A_28 = tpu.memref_squeeze %dma_wait3A_27 : memref<1x20x500xi32, #tpu.memory_space<hbm>> -> memref<20x500xi32, #tpu.memory_space<hbm>>
    tpu.wait_dma2 semaphore(%arg13 : memref<!tpu.dma_semaphore, #tpu.memory_space<semaphore_mem>>) src(%dma_wait3A_28 : memref<20x500xi32, #tpu.memory_space<hbm>>) dst(%arg7 : memref<20x500xi32, #tpu.memory_space<vmem>>)
    %dma_wait3A_29 = arith.constant 0 : i32
    %dma_wait3A_30 = arith.constant 0 : i32
    %dma_wait3A_31 = tpu.memref_slice %arg4[%add3A, %dma_wait3A_29, %dma_wait3A_30] : memref<32x20x500xi32, #tpu.memory_space<hbm>> -> memref<1x20x500xi32, #tpu.memory_space<hbm>>
    %dma_wait3A_32 = tpu.memref_squeeze %dma_wait3A_31 : memref<1x20x500xi32, #tpu.memory_space<hbm>> -> memref<20x500xi32, #tpu.memory_space<hbm>>
    %dma_wait3A_33 = arith.constant 0 : i32
    %dma_wait3A_34 = arith.constant 0 : i32
    %dma_wait3A_35 = tpu.memref_slice %arg4[%add3A, %dma_wait3A_33, %dma_wait3A_34] : memref<32x20x500xi32, #tpu.memory_space<hbm>> -> memref<1x20x500xi32, #tpu.memory_space<hbm>>
    %dma_wait3A_36 = tpu.memref_squeeze %dma_wait3A_35 : memref<1x20x500xi32, #tpu.memory_space<hbm>> -> memref<20x500xi32, #tpu.memory_space<hbm>>
    tpu.wait_dma2 semaphore(%arg13 : memref<!tpu.dma_semaphore, #tpu.memory_space<semaphore_mem>>) src(%dma_wait3A_36 : memref<20x500xi32, #tpu.memory_space<hbm>>) dst(%arg8 : memref<20x500xi32, #tpu.memory_space<vmem>>)
    %barrier3A = arith.constant 0 : index
    tpu.barrier barrier_id(%barrier3A)
    %scan3A = arith.constant 0 : i32
    %scan3A_37 = arith.constant 0 : i32
    %scan3A_38 = arith.constant 10 : i32
    %scan3A_39 = arith.addi %scan3A_37, %scan3A_38 : i32
    %scan3A_40 = arith.constant 1 : i32
    scf.for %scan3A_67 = %scan3A_37 to %scan3A_39 step %scan3A_40  : i32 {
      %mul3A_68 = arith.constant 2 : i32
      %mul3A_69 = arith.muli %scan3A_67, %mul3A_68 : i32
      %add3A_70 = arith.constant 0 : i32
      %add3A_71 = arith.addi %mul3A_69, %add3A_70 : i32
      %sub3A = arith.constant 2 : i32
      %sub3A_72 = arith.subi %add3A_71, %sub3A : i32
      %max3A = arith.constant 0 : i32
      %max3A_73 = arith.maxsi %sub3A_72, %max3A : i32
      %ge3A = arith.constant 2 : i32
      %ge3A_74 = arith.cmpi sge, %add3A_71, %ge3A : i32
      %convert_element_type3A = arith.extui %ge3A_74 : i1 to i32
      %cond3A = arith.constant 0 : i32
      %cond3A_75 = arith.cmpi ne, %convert_element_type3A, %cond3A : i32
      scf.if %cond3A_75 {
        %dma_wait3A_155 = arith.constant 0 : i32
        %dma_wait3A_156 = arith.constant 0 : i32
        %dma_wait3A_157 = arith.constant 0 : i32
        %dma_wait3A_158 = tpu.memref_slice %arg9[%dma_wait3A_155, %dma_wait3A_156, %dma_wait3A_157] : memref<2x500x64xf32, #tpu.memory_space<vmem>> -> memref<1x500x64xf32, #tpu.memory_space<vmem>>
        %dma_wait3A_159 = tpu.memref_squeeze %dma_wait3A_158 : memref<1x500x64xf32, #tpu.memory_space<vmem>> -> memref<500x64xf32, #tpu.memory_space<vmem>>
        %dma_wait3A_160 = arith.constant 0 : i32
        %dma_wait3A_161 = tpu.memref_slice %arg8[%max3A_73, %dma_wait3A_160] : memref<20x500xi32, #tpu.memory_space<vmem>> -> memref<1x500xi32, #tpu.memory_space<vmem>>
        %dma_wait3A_162 = tpu.memref_squeeze %dma_wait3A_161 : memref<1x500xi32, #tpu.memory_space<vmem>> -> memref<500xi32, #tpu.memory_space<vmem>>
        %dma_wait3A_163 = arith.constant 0 : i32
        %dma_wait3A_164 = arith.constant 0 : i32
        %dma_wait3A_165 = tpu.memref_slice %arg10[%dma_wait3A_163, %dma_wait3A_164] : memref<10240x64xf32, #tpu.memory_space<vmem_shared>> -> memref<10240x64xf32, #tpu.memory_space<vmem_shared>>
        tpu.wait_indirect_dma semaphore(%arg11 : memref<!tpu.dma_semaphore, #tpu.memory_space<semaphore_mem>>) src(%dma_wait3A_159 : memref<500x64xf32, #tpu.memory_space<vmem>>) dst(%dma_wait3A_165 : memref<10240x64xf32, #tpu.memory_space<vmem_shared>>)
      } else {
      }
      %dma_start3A_76 = arith.constant 0 : i32
      %dma_start3A_77 = arith.constant 0 : i32
      %dma_start3A_78 = arith.constant 0 : i32
      %dma_start3A_79 = tpu.memref_slice %arg9[%dma_start3A_76, %dma_start3A_77, %dma_start3A_78] : memref<2x500x64xf32, #tpu.memory_space<vmem>> -> memref<1x500x64xf32, #tpu.memory_space<vmem>>
      %dma_start3A_80 = tpu.memref_squeeze %dma_start3A_79 : memref<1x500x64xf32, #tpu.memory_space<vmem>> -> memref<500x64xf32, #tpu.memory_space<vmem>>
      %dma_start3A_81 = arith.constant 0 : i32
      %dma_start3A_82 = tpu.memref_slice %arg7[%add3A_71, %dma_start3A_81] : memref<20x500xi32, #tpu.memory_space<vmem>> -> memref<1x500xi32, #tpu.memory_space<vmem>>
      %dma_start3A_83 = tpu.memref_squeeze %dma_start3A_82 : memref<1x500xi32, #tpu.memory_space<vmem>> -> memref<500xi32, #tpu.memory_space<vmem>>
      %dma_start3A_84 = arith.constant 0 : i32
      %dma_start3A_85 = arith.constant 0 : i32
      %dma_start3A_86 = tpu.memref_slice %arg2[%dma_start3A_84, %dma_start3A_85] : memref<10000x64xf32, #tpu.memory_space<hbm>> -> memref<10000x64xf32, #tpu.memory_space<hbm>>
      tpu.enqueue_indirect_dma source(%dma_start3A_86 : memref<10000x64xf32, #tpu.memory_space<hbm>>) target(%dma_start3A_80 : memref<500x64xf32, #tpu.memory_space<vmem>>) offsets(%dma_start3A_83 : memref<500xi32, #tpu.memory_space<vmem>>) semaphore(%arg13 : memref<!tpu.dma_semaphore, #tpu.memory_space<semaphore_mem>>)
      %dma_wait3A_87 = arith.constant 0 : i32
      %dma_wait3A_88 = arith.constant 0 : i32
      %dma_wait3A_89 = arith.constant 0 : i32
      %dma_wait3A_90 = tpu.memref_slice %arg9[%dma_wait3A_87, %dma_wait3A_88, %dma_wait3A_89] : memref<2x500x64xf32, #tpu.memory_space<vmem>> -> memref<1x500x64xf32, #tpu.memory_space<vmem>>
      %dma_wait3A_91 = tpu.memref_squeeze %dma_wait3A_90 : memref<1x500x64xf32, #tpu.memory_space<vmem>> -> memref<500x64xf32, #tpu.memory_space<vmem>>
      %dma_wait3A_92 = arith.constant 0 : i32
      %dma_wait3A_93 = tpu.memref_slice %arg7[%add3A_71, %dma_wait3A_92] : memref<20x500xi32, #tpu.memory_space<vmem>> -> memref<1x500xi32, #tpu.memory_space<vmem>>
      %dma_wait3A_94 = tpu.memref_squeeze %dma_wait3A_93 : memref<1x500xi32, #tpu.memory_space<vmem>> -> memref<500xi32, #tpu.memory_space<vmem>>
      %dma_wait3A_95 = arith.constant 0 : i32
      %dma_wait3A_96 = arith.constant 0 : i32
      %dma_wait3A_97 = tpu.memref_slice %arg2[%dma_wait3A_95, %dma_wait3A_96] : memref<10000x64xf32, #tpu.memory_space<hbm>> -> memref<10000x64xf32, #tpu.memory_space<hbm>>
      tpu.wait_indirect_dma semaphore(%arg13 : memref<!tpu.dma_semaphore, #tpu.memory_space<semaphore_mem>>) src(%dma_wait3A_97 : memref<10000x64xf32, #tpu.memory_space<hbm>>) dst(%dma_wait3A_91 : memref<500x64xf32, #tpu.memory_space<vmem>>)
      %dma_start3A_98 = arith.constant 0 : i32
      %dma_start3A_99 = arith.constant 0 : i32
      %dma_start3A_100 = arith.constant 0 : i32
      %dma_start3A_101 = tpu.memref_slice %arg9[%dma_start3A_98, %dma_start3A_99, %dma_start3A_100] : memref<2x500x64xf32, #tpu.memory_space<vmem>> -> memref<1x500x64xf32, #tpu.memory_space<vmem>>
      %dma_start3A_102 = tpu.memref_squeeze %dma_start3A_101 : memref<1x500x64xf32, #tpu.memory_space<vmem>> -> memref<500x64xf32, #tpu.memory_space<vmem>>
      %dma_start3A_103 = arith.constant 0 : i32
      %dma_start3A_104 = tpu.memref_slice %arg8[%add3A_71, %dma_start3A_103] : memref<20x500xi32, #tpu.memory_space<vmem>> -> memref<1x500xi32, #tpu.memory_space<vmem>>
      %dma_start3A_105 = tpu.memref_squeeze %dma_start3A_104 : memref<1x500xi32, #tpu.memory_space<vmem>> -> memref<500xi32, #tpu.memory_space<vmem>>
      %dma_start3A_106 = arith.constant 0 : i32
      %dma_start3A_107 = arith.constant 0 : i32
      %dma_start3A_108 = tpu.memref_slice %arg10[%dma_start3A_106, %dma_start3A_107] : memref<10240x64xf32, #tpu.memory_space<vmem_shared>> -> memref<10240x64xf32, #tpu.memory_space<vmem_shared>>
      tpu.enqueue_indirect_dma source(%dma_start3A_102 : memref<500x64xf32, #tpu.memory_space<vmem>>) target(%dma_start3A_108 : memref<10240x64xf32, #tpu.memory_space<vmem_shared>>) offsets(%dma_start3A_105 : memref<500xi32, #tpu.memory_space<vmem>>) semaphore(%arg11 : memref<!tpu.dma_semaphore, #tpu.memory_space<semaphore_mem>>) {add = true}
      %mul3A_109 = arith.constant 2 : i32
      %mul3A_110 = arith.muli %scan3A_67, %mul3A_109 : i32
      %add3A_111 = arith.constant 1 : i32
      %add3A_112 = arith.addi %mul3A_110, %add3A_111 : i32
      %sub3A_113 = arith.constant 2 : i32
      %sub3A_114 = arith.subi %add3A_112, %sub3A_113 : i32
      %max3A_115 = arith.constant 0 : i32
      %max3A_116 = arith.maxsi %sub3A_114, %max3A_115 : i32
      %ge3A_117 = arith.constant 2 : i32
      %ge3A_118 = arith.cmpi sge, %add3A_112, %ge3A_117 : i32
      %convert_element_type3A_119 = arith.extui %ge3A_118 : i1 to i32
      %cond3A_120 = arith.constant 0 : i32
      %cond3A_121 = arith.cmpi ne, %convert_element_type3A_119, %cond3A_120 : i32
      scf.if %cond3A_121 {
        %dma_wait3A_155 = arith.constant 1 : i32
        %dma_wait3A_156 = arith.constant 0 : i32
        %dma_wait3A_157 = arith.constant 0 : i32
        %dma_wait3A_158 = tpu.memref_slice %arg9[%dma_wait3A_155, %dma_wait3A_156, %dma_wait3A_157] : memref<2x500x64xf32, #tpu.memory_space<vmem>> -> memref<1x500x64xf32, #tpu.memory_space<vmem>>
        %dma_wait3A_159 = tpu.memref_squeeze %dma_wait3A_158 : memref<1x500x64xf32, #tpu.memory_space<vmem>> -> memref<500x64xf32, #tpu.memory_space<vmem>>
        %dma_wait3A_160 = arith.constant 0 : i32
        %dma_wait3A_161 = tpu.memref_slice %arg8[%max3A_116, %dma_wait3A_160] : memref<20x500xi32, #tpu.memory_space<vmem>> -> memref<1x500xi32, #tpu.memory_space<vmem>>
        %dma_wait3A_162 = tpu.memref_squeeze %dma_wait3A_161 : memref<1x500xi32, #tpu.memory_space<vmem>> -> memref<500xi32, #tpu.memory_space<vmem>>
        %dma_wait3A_163 = arith.constant 0 : i32
        %dma_wait3A_164 = arith.constant 0 : i32
        %dma_wait3A_165 = tpu.memref_slice %arg10[%dma_wait3A_163, %dma_wait3A_164] : memref<10240x64xf32, #tpu.memory_space<vmem_shared>> -> memref<10240x64xf32, #tpu.memory_space<vmem_shared>>
        tpu.wait_indirect_dma semaphore(%arg12 : memref<!tpu.dma_semaphore, #tpu.memory_space<semaphore_mem>>) src(%dma_wait3A_159 : memref<500x64xf32, #tpu.memory_space<vmem>>) dst(%dma_wait3A_165 : memref<10240x64xf32, #tpu.memory_space<vmem_shared>>)
      } else {
      }
      %dma_start3A_122 = arith.constant 1 : i32
      %dma_start3A_123 = arith.constant 0 : i32
      %dma_start3A_124 = arith.constant 0 : i32
      %dma_start3A_125 = tpu.memref_slice %arg9[%dma_start3A_122, %dma_start3A_123, %dma_start3A_124] : memref<2x500x64xf32, #tpu.memory_space<vmem>> -> memref<1x500x64xf32, #tpu.memory_space<vmem>>
      %dma_start3A_126 = tpu.memref_squeeze %dma_start3A_125 : memref<1x500x64xf32, #tpu.memory_space<vmem>> -> memref<500x64xf32, #tpu.memory_space<vmem>>
      %dma_start3A_127 = arith.constant 0 : i32
      %dma_start3A_128 = tpu.memref_slice %arg7[%add3A_112, %dma_start3A_127] : memref<20x500xi32, #tpu.memory_space<vmem>> -> memref<1x500xi32, #tpu.memory_space<vmem>>
      %dma_start3A_129 = tpu.memref_squeeze %dma_start3A_128 : memref<1x500xi32, #tpu.memory_space<vmem>> -> memref<500xi32, #tpu.memory_space<vmem>>
      %dma_start3A_130 = arith.constant 0 : i32
      %dma_start3A_131 = arith.constant 0 : i32
      %dma_start3A_132 = tpu.memref_slice %arg2[%dma_start3A_130, %dma_start3A_131] : memref<10000x64xf32, #tpu.memory_space<hbm>> -> memref<10000x64xf32, #tpu.memory_space<hbm>>
      tpu.enqueue_indirect_dma source(%dma_start3A_132 : memref<10000x64xf32, #tpu.memory_space<hbm>>) target(%dma_start3A_126 : memref<500x64xf32, #tpu.memory_space<vmem>>) offsets(%dma_start3A_129 : memref<500xi32, #tpu.memory_space<vmem>>) semaphore(%arg13 : memref<!tpu.dma_semaphore, #tpu.memory_space<semaphore_mem>>)
      %dma_wait3A_133 = arith.constant 1 : i32
      %dma_wait3A_134 = arith.constant 0 : i32
      %dma_wait3A_135 = arith.constant 0 : i32
      %dma_wait3A_136 = tpu.memref_slice %arg9[%dma_wait3A_133, %dma_wait3A_134, %dma_wait3A_135] : memref<2x500x64xf32, #tpu.memory_space<vmem>> -> memref<1x500x64xf32, #tpu.memory_space<vmem>>
      %dma_wait3A_137 = tpu.memref_squeeze %dma_wait3A_136 : memref<1x500x64xf32, #tpu.memory_space<vmem>> -> memref<500x64xf32, #tpu.memory_space<vmem>>
      %dma_wait3A_138 = arith.constant 0 : i32
      %dma_wait3A_139 = tpu.memref_slice %arg7[%add3A_112, %dma_wait3A_138] : memref<20x500xi32, #tpu.memory_space<vmem>> -> memref<1x500xi32, #tpu.memory_space<vmem>>
      %dma_wait3A_140 = tpu.memref_squeeze %dma_wait3A_139 : memref<1x500xi32, #tpu.memory_space<vmem>> -> memref<500xi32, #tpu.memory_space<vmem>>
      %dma_wait3A_141 = arith.constant 0 : i32
      %dma_wait3A_142 = arith.constant 0 : i32
      %dma_wait3A_143 = tpu.memref_slice %arg2[%dma_wait3A_141, %dma_wait3A_142] : memref<10000x64xf32, #tpu.memory_space<hbm>> -> memref<10000x64xf32, #tpu.memory_space<hbm>>
      tpu.wait_indirect_dma semaphore(%arg13 : memref<!tpu.dma_semaphore, #tpu.memory_space<semaphore_mem>>) src(%dma_wait3A_143 : memref<10000x64xf32, #tpu.memory_space<hbm>>) dst(%dma_wait3A_137 : memref<500x64xf32, #tpu.memory_space<vmem>>)
      %dma_start3A_144 = arith.constant 1 : i32
      %dma_start3A_145 = arith.constant 0 : i32
      %dma_start3A_146 = arith.constant 0 : i32
      %dma_start3A_147 = tpu.memref_slice %arg9[%dma_start3A_144, %dma_start3A_145, %dma_start3A_146] : memref<2x500x64xf32, #tpu.memory_space<vmem>> -> memref<1x500x64xf32, #tpu.memory_space<vmem>>
      %dma_start3A_148 = tpu.memref_squeeze %dma_start3A_147 : memref<1x500x64xf32, #tpu.memory_space<vmem>> -> memref<500x64xf32, #tpu.memory_space<vmem>>
      %dma_start3A_149 = arith.constant 0 : i32
      %dma_start3A_150 = tpu.memref_slice %arg8[%add3A_112, %dma_start3A_149] : memref<20x500xi32, #tpu.memory_space<vmem>> -> memref<1x500xi32, #tpu.memory_space<vmem>>
      %dma_start3A_151 = tpu.memref_squeeze %dma_start3A_150 : memref<1x500xi32, #tpu.memory_space<vmem>> -> memref<500xi32, #tpu.memory_space<vmem>>
      %dma_start3A_152 = arith.constant 0 : i32
      %dma_start3A_153 = arith.constant 0 : i32
      %dma_start3A_154 = tpu.memref_slice %arg10[%dma_start3A_152, %dma_start3A_153] : memref<10240x64xf32, #tpu.memory_space<vmem_shared>> -> memref<10240x64xf32, #tpu.memory_space<vmem_shared>>
      tpu.enqueue_indirect_dma source(%dma_start3A_148 : memref<500x64xf32, #tpu.memory_space<vmem>>) target(%dma_start3A_154 : memref<10240x64xf32, #tpu.memory_space<vmem_shared>>) offsets(%dma_start3A_151 : memref<500xi32, #tpu.memory_space<vmem>>) semaphore(%arg12 : memref<!tpu.dma_semaphore, #tpu.memory_space<semaphore_mem>>) {add = true}
    }
    %scan3A_41 = arith.constant 10 : i32
    %dma_wait3A_42 = arith.constant 0 : i32
    %dma_wait3A_43 = arith.constant 18 : i32
    %dma_wait3A_44 = arith.constant 0 : i32
    %dma_wait3A_45 = arith.constant 0 : i32
    %dma_wait3A_46 = tpu.memref_slice %arg9[%dma_wait3A_42, %dma_wait3A_44, %dma_wait3A_45] : memref<2x500x64xf32, #tpu.memory_space<vmem>> -> memref<1x500x64xf32, #tpu.memory_space<vmem>>
    %dma_wait3A_47 = tpu.memref_squeeze %dma_wait3A_46 : memref<1x500x64xf32, #tpu.memory_space<vmem>> -> memref<500x64xf32, #tpu.memory_space<vmem>>
    %dma_wait3A_48 = arith.constant 0 : i32
    %dma_wait3A_49 = tpu.memref_slice %arg8[%dma_wait3A_43, %dma_wait3A_48] : memref<20x500xi32, #tpu.memory_space<vmem>> -> memref<1x500xi32, #tpu.memory_space<vmem>>
    %dma_wait3A_50 = tpu.memref_squeeze %dma_wait3A_49 : memref<1x500xi32, #tpu.memory_space<vmem>> -> memref<500xi32, #tpu.memory_space<vmem>>
    %dma_wait3A_51 = arith.constant 0 : i32
    %dma_wait3A_52 = arith.constant 0 : i32
    %dma_wait3A_53 = tpu.memref_slice %arg10[%dma_wait3A_51, %dma_wait3A_52] : memref<10240x64xf32, #tpu.memory_space<vmem_shared>> -> memref<10240x64xf32, #tpu.memory_space<vmem_shared>>
    tpu.wait_indirect_dma semaphore(%arg11 : memref<!tpu.dma_semaphore, #tpu.memory_space<semaphore_mem>>) src(%dma_wait3A_47 : memref<500x64xf32, #tpu.memory_space<vmem>>) dst(%dma_wait3A_53 : memref<10240x64xf32, #tpu.memory_space<vmem_shared>>)
    %dma_wait3A_54 = arith.constant 1 : i32
    %dma_wait3A_55 = arith.constant 19 : i32
    %dma_wait3A_56 = arith.constant 0 : i32
    %dma_wait3A_57 = arith.constant 0 : i32
    %dma_wait3A_58 = tpu.memref_slice %arg9[%dma_wait3A_54, %dma_wait3A_56, %dma_wait3A_57] : memref<2x500x64xf32, #tpu.memory_space<vmem>> -> memref<1x500x64xf32, #tpu.memory_space<vmem>>
    %dma_wait3A_59 = tpu.memref_squeeze %dma_wait3A_58 : memref<1x500x64xf32, #tpu.memory_space<vmem>> -> memref<500x64xf32, #tpu.memory_space<vmem>>
    %dma_wait3A_60 = arith.constant 0 : i32
    %dma_wait3A_61 = tpu.memref_slice %arg8[%dma_wait3A_55, %dma_wait3A_60] : memref<20x500xi32, #tpu.memory_space<vmem>> -> memref<1x500xi32, #tpu.memory_space<vmem>>
    %dma_wait3A_62 = tpu.memref_squeeze %dma_wait3A_61 : memref<1x500xi32, #tpu.memory_space<vmem>> -> memref<500xi32, #tpu.memory_space<vmem>>
    %dma_wait3A_63 = arith.constant 0 : i32
    %dma_wait3A_64 = arith.constant 0 : i32
    %dma_wait3A_65 = tpu.memref_slice %arg10[%dma_wait3A_63, %dma_wait3A_64] : memref<10240x64xf32, #tpu.memory_space<vmem_shared>> -> memref<10240x64xf32, #tpu.memory_space<vmem_shared>>
    tpu.wait_indirect_dma semaphore(%arg12 : memref<!tpu.dma_semaphore, #tpu.memory_space<semaphore_mem>>) src(%dma_wait3A_59 : memref<500x64xf32, #tpu.memory_space<vmem>>) dst(%dma_wait3A_65 : memref<10240x64xf32, #tpu.memory_space<vmem_shared>>)
    %barrier3A_66 = arith.constant 0 : index
    tpu.barrier barrier_id(%barrier3A_66)
    "tpu.region"() ({
      %run_scoped3A = tpu.sem_alloc : memref<!tpu.dma_semaphore, #tpu.memory_space<semaphore_mem>>
      %dma_start3A_67 = arith.constant 0 : i32
      %dma_start3A_68 = tpu.memref_slice %arg6[%arg0, %mul3A_2, %dma_start3A_67] : memref<2x10240x64xf32, #tpu.memory_space<hbm>> -> memref<1x640x64xf32, #tpu.memory_space<hbm>>
      %dma_start3A_69 = tpu.memref_squeeze %dma_start3A_68 : memref<1x640x64xf32, #tpu.memory_space<hbm>> -> memref<640x64xf32, #tpu.memory_space<hbm>>
      %dma_start3A_70 = arith.constant 0 : i32
      %dma_start3A_71 = tpu.memref_slice %arg10[%mul3A_2, %dma_start3A_70] : memref<10240x64xf32, #tpu.memory_space<vmem_shared>> -> memref<640x64xf32, #tpu.memory_space<vmem_shared>>
      tpu.enqueue_dma source(%dma_start3A_71 : memref<640x64xf32, #tpu.memory_space<vmem_shared>>) target(%dma_start3A_69 : memref<640x64xf32, #tpu.memory_space<hbm>>) target_semaphore(%run_scoped3A : memref<!tpu.dma_semaphore, #tpu.memory_space<semaphore_mem>>)
      %dma_wait3A_72 = arith.constant 0 : i32
      %dma_wait3A_73 = tpu.memref_slice %arg6[%arg0, %mul3A_2, %dma_wait3A_72] : memref<2x10240x64xf32, #tpu.memory_space<hbm>> -> memref<1x640x64xf32, #tpu.memory_space<hbm>>
      %dma_wait3A_74 = tpu.memref_squeeze %dma_wait3A_73 : memref<1x640x64xf32, #tpu.memory_space<hbm>> -> memref<640x64xf32, #tpu.memory_space<hbm>>
      %dma_wait3A_75 = arith.constant 0 : i32
      %dma_wait3A_76 = tpu.memref_slice %arg10[%mul3A_2, %dma_wait3A_75] : memref<10240x64xf32, #tpu.memory_space<vmem_shared>> -> memref<640x64xf32, #tpu.memory_space<vmem_shared>>
      tpu.wait_dma2 semaphore(%run_scoped3A : memref<!tpu.dma_semaphore, #tpu.memory_space<semaphore_mem>>) src(%dma_wait3A_76 : memref<640x64xf32, #tpu.memory_space<vmem_shared>>) dst(%dma_wait3A_74 : memref<640x64xf32, #tpu.memory_space<hbm>>)
      tpu.yield
    }) : () -> ()
    return
  }
}

#map = affine_map<(d0, d1) -> (0, 0)>
#map1 = affine_map<(d0, d1) -> (0, 0, 0)>
module attributes {stable_mosaic.version = 14 : i64} {
  func.func @_sc_seg_aug(%arg0: i32, %arg1: i32, %arg2: memref<10000x80xf32, #tpu.memory_space<hbm>>, %arg3: memref<32x40x250xi32, #tpu.memory_space<hbm>>, %arg4: memref<32x40x250xi32, #tpu.memory_space<hbm>>, %arg5: memref<640x80xf32, #tpu.memory_space<hbm>>, %arg6: memref<2x10240x80xf32, #tpu.memory_space<hbm>>, %arg7: memref<40x250xi32, #tpu.memory_space<vmem>>, %arg8: memref<40x250xi32, #tpu.memory_space<vmem>>, %arg9: memref<2x250x80xf32, #tpu.memory_space<vmem>>, %arg10: memref<10240x80xf32, #tpu.memory_space<vmem_shared>>, %arg11: memref<!tpu.dma_semaphore, #tpu.memory_space<semaphore_mem>>, %arg12: memref<!tpu.dma_semaphore, #tpu.memory_space<semaphore_mem>>, %arg13: memref<!tpu.dma_semaphore, #tpu.memory_space<semaphore_mem>>) attributes {dimension_semantics = [#tpu.dimension_semantics<core_parallel>, #tpu.dimension_semantics<subcore_parallel>], iteration_bounds = array<i64: 2, 16>, scalar_prefetch = 0 : i64, scratch_operands = 7 : i64, tpu.core_type = #tpu.core_type<sc_vector_subcore>, window_params = [{transform_indices = #map}, {transform_indices = #map1}, {transform_indices = #map1}, {transform_indices = #map}, {transform_indices = #map1}]} {
    %mul3A = arith.constant 2 : i32
    %mul3A_0 = arith.muli %arg1, %mul3A : i32
    %add3A = arith.addi %mul3A_0, %arg0 : i32
    %mul3A_1 = arith.constant 640 : i32
    %mul3A_2 = arith.muli %arg1, %mul3A_1 : i32
    %dma_start3A = arith.constant 0 : i32
    %dma_start3A_3 = tpu.memref_slice %arg10[%mul3A_2, %dma_start3A] : memref<10240x80xf32, #tpu.memory_space<vmem_shared>> -> memref<640x80xf32, #tpu.memory_space<vmem_shared>>
    tpu.enqueue_dma source(%arg5 : memref<640x80xf32, #tpu.memory_space<hbm>>) target(%dma_start3A_3 : memref<640x80xf32, #tpu.memory_space<vmem_shared>>) target_semaphore(%arg13 : memref<!tpu.dma_semaphore, #tpu.memory_space<semaphore_mem>>)
    %dma_start3A_4 = arith.constant 0 : i32
    %dma_start3A_5 = arith.constant 0 : i32
    %dma_start3A_6 = tpu.memref_slice %arg3[%add3A, %dma_start3A_4, %dma_start3A_5] : memref<32x40x250xi32, #tpu.memory_space<hbm>> -> memref<1x40x250xi32, #tpu.memory_space<hbm>>
    %dma_start3A_7 = tpu.memref_squeeze %dma_start3A_6 : memref<1x40x250xi32, #tpu.memory_space<hbm>> -> memref<40x250xi32, #tpu.memory_space<hbm>>
    %dma_start3A_8 = arith.constant 0 : i32
    %dma_start3A_9 = arith.constant 0 : i32
    %dma_start3A_10 = tpu.memref_slice %arg3[%add3A, %dma_start3A_8, %dma_start3A_9] : memref<32x40x250xi32, #tpu.memory_space<hbm>> -> memref<1x40x250xi32, #tpu.memory_space<hbm>>
    %dma_start3A_11 = tpu.memref_squeeze %dma_start3A_10 : memref<1x40x250xi32, #tpu.memory_space<hbm>> -> memref<40x250xi32, #tpu.memory_space<hbm>>
    tpu.enqueue_dma source(%dma_start3A_11 : memref<40x250xi32, #tpu.memory_space<hbm>>) target(%arg7 : memref<40x250xi32, #tpu.memory_space<vmem>>) target_semaphore(%arg13 : memref<!tpu.dma_semaphore, #tpu.memory_space<semaphore_mem>>)
    %dma_start3A_12 = arith.constant 0 : i32
    %dma_start3A_13 = arith.constant 0 : i32
    %dma_start3A_14 = tpu.memref_slice %arg4[%add3A, %dma_start3A_12, %dma_start3A_13] : memref<32x40x250xi32, #tpu.memory_space<hbm>> -> memref<1x40x250xi32, #tpu.memory_space<hbm>>
    %dma_start3A_15 = tpu.memref_squeeze %dma_start3A_14 : memref<1x40x250xi32, #tpu.memory_space<hbm>> -> memref<40x250xi32, #tpu.memory_space<hbm>>
    %dma_start3A_16 = arith.constant 0 : i32
    %dma_start3A_17 = arith.constant 0 : i32
    %dma_start3A_18 = tpu.memref_slice %arg4[%add3A, %dma_start3A_16, %dma_start3A_17] : memref<32x40x250xi32, #tpu.memory_space<hbm>> -> memref<1x40x250xi32, #tpu.memory_space<hbm>>
    %dma_start3A_19 = tpu.memref_squeeze %dma_start3A_18 : memref<1x40x250xi32, #tpu.memory_space<hbm>> -> memref<40x250xi32, #tpu.memory_space<hbm>>
    tpu.enqueue_dma source(%dma_start3A_19 : memref<40x250xi32, #tpu.memory_space<hbm>>) target(%arg8 : memref<40x250xi32, #tpu.memory_space<vmem>>) target_semaphore(%arg13 : memref<!tpu.dma_semaphore, #tpu.memory_space<semaphore_mem>>)
    %dma_wait3A = arith.constant 0 : i32
    %dma_wait3A_20 = tpu.memref_slice %arg10[%mul3A_2, %dma_wait3A] : memref<10240x80xf32, #tpu.memory_space<vmem_shared>> -> memref<640x80xf32, #tpu.memory_space<vmem_shared>>
    tpu.wait_dma2 semaphore(%arg13 : memref<!tpu.dma_semaphore, #tpu.memory_space<semaphore_mem>>) src(%arg5 : memref<640x80xf32, #tpu.memory_space<hbm>>) dst(%dma_wait3A_20 : memref<640x80xf32, #tpu.memory_space<vmem_shared>>)
    %dma_wait3A_21 = arith.constant 0 : i32
    %dma_wait3A_22 = arith.constant 0 : i32
    %dma_wait3A_23 = tpu.memref_slice %arg3[%add3A, %dma_wait3A_21, %dma_wait3A_22] : memref<32x40x250xi32, #tpu.memory_space<hbm>> -> memref<1x40x250xi32, #tpu.memory_space<hbm>>
    %dma_wait3A_24 = tpu.memref_squeeze %dma_wait3A_23 : memref<1x40x250xi32, #tpu.memory_space<hbm>> -> memref<40x250xi32, #tpu.memory_space<hbm>>
    %dma_wait3A_25 = arith.constant 0 : i32
    %dma_wait3A_26 = arith.constant 0 : i32
    %dma_wait3A_27 = tpu.memref_slice %arg3[%add3A, %dma_wait3A_25, %dma_wait3A_26] : memref<32x40x250xi32, #tpu.memory_space<hbm>> -> memref<1x40x250xi32, #tpu.memory_space<hbm>>
    %dma_wait3A_28 = tpu.memref_squeeze %dma_wait3A_27 : memref<1x40x250xi32, #tpu.memory_space<hbm>> -> memref<40x250xi32, #tpu.memory_space<hbm>>
    tpu.wait_dma2 semaphore(%arg13 : memref<!tpu.dma_semaphore, #tpu.memory_space<semaphore_mem>>) src(%dma_wait3A_28 : memref<40x250xi32, #tpu.memory_space<hbm>>) dst(%arg7 : memref<40x250xi32, #tpu.memory_space<vmem>>)
    %dma_wait3A_29 = arith.constant 0 : i32
    %dma_wait3A_30 = arith.constant 0 : i32
    %dma_wait3A_31 = tpu.memref_slice %arg4[%add3A, %dma_wait3A_29, %dma_wait3A_30] : memref<32x40x250xi32, #tpu.memory_space<hbm>> -> memref<1x40x250xi32, #tpu.memory_space<hbm>>
    %dma_wait3A_32 = tpu.memref_squeeze %dma_wait3A_31 : memref<1x40x250xi32, #tpu.memory_space<hbm>> -> memref<40x250xi32, #tpu.memory_space<hbm>>
    %dma_wait3A_33 = arith.constant 0 : i32
    %dma_wait3A_34 = arith.constant 0 : i32
    %dma_wait3A_35 = tpu.memref_slice %arg4[%add3A, %dma_wait3A_33, %dma_wait3A_34] : memref<32x40x250xi32, #tpu.memory_space<hbm>> -> memref<1x40x250xi32, #tpu.memory_space<hbm>>
    %dma_wait3A_36 = tpu.memref_squeeze %dma_wait3A_35 : memref<1x40x250xi32, #tpu.memory_space<hbm>> -> memref<40x250xi32, #tpu.memory_space<hbm>>
    tpu.wait_dma2 semaphore(%arg13 : memref<!tpu.dma_semaphore, #tpu.memory_space<semaphore_mem>>) src(%dma_wait3A_36 : memref<40x250xi32, #tpu.memory_space<hbm>>) dst(%arg8 : memref<40x250xi32, #tpu.memory_space<vmem>>)
    %barrier3A = arith.constant 0 : index
    tpu.barrier barrier_id(%barrier3A)
    %scan3A = arith.constant 0 : i32
    %scan3A_37 = arith.constant 0 : i32
    %scan3A_38 = arith.constant 20 : i32
    %scan3A_39 = arith.addi %scan3A_37, %scan3A_38 : i32
    %scan3A_40 = arith.constant 1 : i32
    scf.for %scan3A_67 = %scan3A_37 to %scan3A_39 step %scan3A_40  : i32 {
      %mul3A_68 = arith.constant 2 : i32
      %mul3A_69 = arith.muli %scan3A_67, %mul3A_68 : i32
      %add3A_70 = arith.constant 0 : i32
      %add3A_71 = arith.addi %mul3A_69, %add3A_70 : i32
      %sub3A = arith.constant 2 : i32
      %sub3A_72 = arith.subi %add3A_71, %sub3A : i32
      %max3A = arith.constant 0 : i32
      %max3A_73 = arith.maxsi %sub3A_72, %max3A : i32
      %ge3A = arith.constant 2 : i32
      %ge3A_74 = arith.cmpi sge, %add3A_71, %ge3A : i32
      %convert_element_type3A = arith.extui %ge3A_74 : i1 to i32
      %cond3A = arith.constant 0 : i32
      %cond3A_75 = arith.cmpi ne, %convert_element_type3A, %cond3A : i32
      scf.if %cond3A_75 {
        %dma_wait3A_155 = arith.constant 0 : i32
        %dma_wait3A_156 = arith.constant 0 : i32
        %dma_wait3A_157 = arith.constant 0 : i32
        %dma_wait3A_158 = tpu.memref_slice %arg9[%dma_wait3A_155, %dma_wait3A_156, %dma_wait3A_157] : memref<2x250x80xf32, #tpu.memory_space<vmem>> -> memref<1x250x80xf32, #tpu.memory_space<vmem>>
        %dma_wait3A_159 = tpu.memref_squeeze %dma_wait3A_158 : memref<1x250x80xf32, #tpu.memory_space<vmem>> -> memref<250x80xf32, #tpu.memory_space<vmem>>
        %dma_wait3A_160 = arith.constant 0 : i32
        %dma_wait3A_161 = tpu.memref_slice %arg8[%max3A_73, %dma_wait3A_160] : memref<40x250xi32, #tpu.memory_space<vmem>> -> memref<1x250xi32, #tpu.memory_space<vmem>>
        %dma_wait3A_162 = tpu.memref_squeeze %dma_wait3A_161 : memref<1x250xi32, #tpu.memory_space<vmem>> -> memref<250xi32, #tpu.memory_space<vmem>>
        %dma_wait3A_163 = arith.constant 0 : i32
        %dma_wait3A_164 = arith.constant 0 : i32
        %dma_wait3A_165 = tpu.memref_slice %arg10[%dma_wait3A_163, %dma_wait3A_164] : memref<10240x80xf32, #tpu.memory_space<vmem_shared>> -> memref<10240x80xf32, #tpu.memory_space<vmem_shared>>
        tpu.wait_indirect_dma semaphore(%arg11 : memref<!tpu.dma_semaphore, #tpu.memory_space<semaphore_mem>>) src(%dma_wait3A_159 : memref<250x80xf32, #tpu.memory_space<vmem>>) dst(%dma_wait3A_165 : memref<10240x80xf32, #tpu.memory_space<vmem_shared>>)
      } else {
      }
      %dma_start3A_76 = arith.constant 0 : i32
      %dma_start3A_77 = arith.constant 0 : i32
      %dma_start3A_78 = arith.constant 0 : i32
      %dma_start3A_79 = tpu.memref_slice %arg9[%dma_start3A_76, %dma_start3A_77, %dma_start3A_78] : memref<2x250x80xf32, #tpu.memory_space<vmem>> -> memref<1x250x80xf32, #tpu.memory_space<vmem>>
      %dma_start3A_80 = tpu.memref_squeeze %dma_start3A_79 : memref<1x250x80xf32, #tpu.memory_space<vmem>> -> memref<250x80xf32, #tpu.memory_space<vmem>>
      %dma_start3A_81 = arith.constant 0 : i32
      %dma_start3A_82 = tpu.memref_slice %arg7[%add3A_71, %dma_start3A_81] : memref<40x250xi32, #tpu.memory_space<vmem>> -> memref<1x250xi32, #tpu.memory_space<vmem>>
      %dma_start3A_83 = tpu.memref_squeeze %dma_start3A_82 : memref<1x250xi32, #tpu.memory_space<vmem>> -> memref<250xi32, #tpu.memory_space<vmem>>
      %dma_start3A_84 = arith.constant 0 : i32
      %dma_start3A_85 = arith.constant 0 : i32
      %dma_start3A_86 = tpu.memref_slice %arg2[%dma_start3A_84, %dma_start3A_85] : memref<10000x80xf32, #tpu.memory_space<hbm>> -> memref<10000x80xf32, #tpu.memory_space<hbm>>
      tpu.enqueue_indirect_dma source(%dma_start3A_86 : memref<10000x80xf32, #tpu.memory_space<hbm>>) target(%dma_start3A_80 : memref<250x80xf32, #tpu.memory_space<vmem>>) offsets(%dma_start3A_83 : memref<250xi32, #tpu.memory_space<vmem>>) semaphore(%arg13 : memref<!tpu.dma_semaphore, #tpu.memory_space<semaphore_mem>>)
      %dma_wait3A_87 = arith.constant 0 : i32
      %dma_wait3A_88 = arith.constant 0 : i32
      %dma_wait3A_89 = arith.constant 0 : i32
      %dma_wait3A_90 = tpu.memref_slice %arg9[%dma_wait3A_87, %dma_wait3A_88, %dma_wait3A_89] : memref<2x250x80xf32, #tpu.memory_space<vmem>> -> memref<1x250x80xf32, #tpu.memory_space<vmem>>
      %dma_wait3A_91 = tpu.memref_squeeze %dma_wait3A_90 : memref<1x250x80xf32, #tpu.memory_space<vmem>> -> memref<250x80xf32, #tpu.memory_space<vmem>>
      %dma_wait3A_92 = arith.constant 0 : i32
      %dma_wait3A_93 = tpu.memref_slice %arg7[%add3A_71, %dma_wait3A_92] : memref<40x250xi32, #tpu.memory_space<vmem>> -> memref<1x250xi32, #tpu.memory_space<vmem>>
      %dma_wait3A_94 = tpu.memref_squeeze %dma_wait3A_93 : memref<1x250xi32, #tpu.memory_space<vmem>> -> memref<250xi32, #tpu.memory_space<vmem>>
      %dma_wait3A_95 = arith.constant 0 : i32
      %dma_wait3A_96 = arith.constant 0 : i32
      %dma_wait3A_97 = tpu.memref_slice %arg2[%dma_wait3A_95, %dma_wait3A_96] : memref<10000x80xf32, #tpu.memory_space<hbm>> -> memref<10000x80xf32, #tpu.memory_space<hbm>>
      tpu.wait_indirect_dma semaphore(%arg13 : memref<!tpu.dma_semaphore, #tpu.memory_space<semaphore_mem>>) src(%dma_wait3A_97 : memref<10000x80xf32, #tpu.memory_space<hbm>>) dst(%dma_wait3A_91 : memref<250x80xf32, #tpu.memory_space<vmem>>)
      %dma_start3A_98 = arith.constant 0 : i32
      %dma_start3A_99 = arith.constant 0 : i32
      %dma_start3A_100 = arith.constant 0 : i32
      %dma_start3A_101 = tpu.memref_slice %arg9[%dma_start3A_98, %dma_start3A_99, %dma_start3A_100] : memref<2x250x80xf32, #tpu.memory_space<vmem>> -> memref<1x250x80xf32, #tpu.memory_space<vmem>>
      %dma_start3A_102 = tpu.memref_squeeze %dma_start3A_101 : memref<1x250x80xf32, #tpu.memory_space<vmem>> -> memref<250x80xf32, #tpu.memory_space<vmem>>
      %dma_start3A_103 = arith.constant 0 : i32
      %dma_start3A_104 = tpu.memref_slice %arg8[%add3A_71, %dma_start3A_103] : memref<40x250xi32, #tpu.memory_space<vmem>> -> memref<1x250xi32, #tpu.memory_space<vmem>>
      %dma_start3A_105 = tpu.memref_squeeze %dma_start3A_104 : memref<1x250xi32, #tpu.memory_space<vmem>> -> memref<250xi32, #tpu.memory_space<vmem>>
      %dma_start3A_106 = arith.constant 0 : i32
      %dma_start3A_107 = arith.constant 0 : i32
      %dma_start3A_108 = tpu.memref_slice %arg10[%dma_start3A_106, %dma_start3A_107] : memref<10240x80xf32, #tpu.memory_space<vmem_shared>> -> memref<10240x80xf32, #tpu.memory_space<vmem_shared>>
      tpu.enqueue_indirect_dma source(%dma_start3A_102 : memref<250x80xf32, #tpu.memory_space<vmem>>) target(%dma_start3A_108 : memref<10240x80xf32, #tpu.memory_space<vmem_shared>>) offsets(%dma_start3A_105 : memref<250xi32, #tpu.memory_space<vmem>>) semaphore(%arg11 : memref<!tpu.dma_semaphore, #tpu.memory_space<semaphore_mem>>) {add = true}
      %mul3A_109 = arith.constant 2 : i32
      %mul3A_110 = arith.muli %scan3A_67, %mul3A_109 : i32
      %add3A_111 = arith.constant 1 : i32
      %add3A_112 = arith.addi %mul3A_110, %add3A_111 : i32
      %sub3A_113 = arith.constant 2 : i32
      %sub3A_114 = arith.subi %add3A_112, %sub3A_113 : i32
      %max3A_115 = arith.constant 0 : i32
      %max3A_116 = arith.maxsi %sub3A_114, %max3A_115 : i32
      %ge3A_117 = arith.constant 2 : i32
      %ge3A_118 = arith.cmpi sge, %add3A_112, %ge3A_117 : i32
      %convert_element_type3A_119 = arith.extui %ge3A_118 : i1 to i32
      %cond3A_120 = arith.constant 0 : i32
      %cond3A_121 = arith.cmpi ne, %convert_element_type3A_119, %cond3A_120 : i32
      scf.if %cond3A_121 {
        %dma_wait3A_155 = arith.constant 1 : i32
        %dma_wait3A_156 = arith.constant 0 : i32
        %dma_wait3A_157 = arith.constant 0 : i32
        %dma_wait3A_158 = tpu.memref_slice %arg9[%dma_wait3A_155, %dma_wait3A_156, %dma_wait3A_157] : memref<2x250x80xf32, #tpu.memory_space<vmem>> -> memref<1x250x80xf32, #tpu.memory_space<vmem>>
        %dma_wait3A_159 = tpu.memref_squeeze %dma_wait3A_158 : memref<1x250x80xf32, #tpu.memory_space<vmem>> -> memref<250x80xf32, #tpu.memory_space<vmem>>
        %dma_wait3A_160 = arith.constant 0 : i32
        %dma_wait3A_161 = tpu.memref_slice %arg8[%max3A_116, %dma_wait3A_160] : memref<40x250xi32, #tpu.memory_space<vmem>> -> memref<1x250xi32, #tpu.memory_space<vmem>>
        %dma_wait3A_162 = tpu.memref_squeeze %dma_wait3A_161 : memref<1x250xi32, #tpu.memory_space<vmem>> -> memref<250xi32, #tpu.memory_space<vmem>>
        %dma_wait3A_163 = arith.constant 0 : i32
        %dma_wait3A_164 = arith.constant 0 : i32
        %dma_wait3A_165 = tpu.memref_slice %arg10[%dma_wait3A_163, %dma_wait3A_164] : memref<10240x80xf32, #tpu.memory_space<vmem_shared>> -> memref<10240x80xf32, #tpu.memory_space<vmem_shared>>
        tpu.wait_indirect_dma semaphore(%arg12 : memref<!tpu.dma_semaphore, #tpu.memory_space<semaphore_mem>>) src(%dma_wait3A_159 : memref<250x80xf32, #tpu.memory_space<vmem>>) dst(%dma_wait3A_165 : memref<10240x80xf32, #tpu.memory_space<vmem_shared>>)
      } else {
      }
      %dma_start3A_122 = arith.constant 1 : i32
      %dma_start3A_123 = arith.constant 0 : i32
      %dma_start3A_124 = arith.constant 0 : i32
      %dma_start3A_125 = tpu.memref_slice %arg9[%dma_start3A_122, %dma_start3A_123, %dma_start3A_124] : memref<2x250x80xf32, #tpu.memory_space<vmem>> -> memref<1x250x80xf32, #tpu.memory_space<vmem>>
      %dma_start3A_126 = tpu.memref_squeeze %dma_start3A_125 : memref<1x250x80xf32, #tpu.memory_space<vmem>> -> memref<250x80xf32, #tpu.memory_space<vmem>>
      %dma_start3A_127 = arith.constant 0 : i32
      %dma_start3A_128 = tpu.memref_slice %arg7[%add3A_112, %dma_start3A_127] : memref<40x250xi32, #tpu.memory_space<vmem>> -> memref<1x250xi32, #tpu.memory_space<vmem>>
      %dma_start3A_129 = tpu.memref_squeeze %dma_start3A_128 : memref<1x250xi32, #tpu.memory_space<vmem>> -> memref<250xi32, #tpu.memory_space<vmem>>
      %dma_start3A_130 = arith.constant 0 : i32
      %dma_start3A_131 = arith.constant 0 : i32
      %dma_start3A_132 = tpu.memref_slice %arg2[%dma_start3A_130, %dma_start3A_131] : memref<10000x80xf32, #tpu.memory_space<hbm>> -> memref<10000x80xf32, #tpu.memory_space<hbm>>
      tpu.enqueue_indirect_dma source(%dma_start3A_132 : memref<10000x80xf32, #tpu.memory_space<hbm>>) target(%dma_start3A_126 : memref<250x80xf32, #tpu.memory_space<vmem>>) offsets(%dma_start3A_129 : memref<250xi32, #tpu.memory_space<vmem>>) semaphore(%arg13 : memref<!tpu.dma_semaphore, #tpu.memory_space<semaphore_mem>>)
      %dma_wait3A_133 = arith.constant 1 : i32
      %dma_wait3A_134 = arith.constant 0 : i32
      %dma_wait3A_135 = arith.constant 0 : i32
      %dma_wait3A_136 = tpu.memref_slice %arg9[%dma_wait3A_133, %dma_wait3A_134, %dma_wait3A_135] : memref<2x250x80xf32, #tpu.memory_space<vmem>> -> memref<1x250x80xf32, #tpu.memory_space<vmem>>
      %dma_wait3A_137 = tpu.memref_squeeze %dma_wait3A_136 : memref<1x250x80xf32, #tpu.memory_space<vmem>> -> memref<250x80xf32, #tpu.memory_space<vmem>>
      %dma_wait3A_138 = arith.constant 0 : i32
      %dma_wait3A_139 = tpu.memref_slice %arg7[%add3A_112, %dma_wait3A_138] : memref<40x250xi32, #tpu.memory_space<vmem>> -> memref<1x250xi32, #tpu.memory_space<vmem>>
      %dma_wait3A_140 = tpu.memref_squeeze %dma_wait3A_139 : memref<1x250xi32, #tpu.memory_space<vmem>> -> memref<250xi32, #tpu.memory_space<vmem>>
      %dma_wait3A_141 = arith.constant 0 : i32
      %dma_wait3A_142 = arith.constant 0 : i32
      %dma_wait3A_143 = tpu.memref_slice %arg2[%dma_wait3A_141, %dma_wait3A_142] : memref<10000x80xf32, #tpu.memory_space<hbm>> -> memref<10000x80xf32, #tpu.memory_space<hbm>>
      tpu.wait_indirect_dma semaphore(%arg13 : memref<!tpu.dma_semaphore, #tpu.memory_space<semaphore_mem>>) src(%dma_wait3A_143 : memref<10000x80xf32, #tpu.memory_space<hbm>>) dst(%dma_wait3A_137 : memref<250x80xf32, #tpu.memory_space<vmem>>)
      %dma_start3A_144 = arith.constant 1 : i32
      %dma_start3A_145 = arith.constant 0 : i32
      %dma_start3A_146 = arith.constant 0 : i32
      %dma_start3A_147 = tpu.memref_slice %arg9[%dma_start3A_144, %dma_start3A_145, %dma_start3A_146] : memref<2x250x80xf32, #tpu.memory_space<vmem>> -> memref<1x250x80xf32, #tpu.memory_space<vmem>>
      %dma_start3A_148 = tpu.memref_squeeze %dma_start3A_147 : memref<1x250x80xf32, #tpu.memory_space<vmem>> -> memref<250x80xf32, #tpu.memory_space<vmem>>
      %dma_start3A_149 = arith.constant 0 : i32
      %dma_start3A_150 = tpu.memref_slice %arg8[%add3A_112, %dma_start3A_149] : memref<40x250xi32, #tpu.memory_space<vmem>> -> memref<1x250xi32, #tpu.memory_space<vmem>>
      %dma_start3A_151 = tpu.memref_squeeze %dma_start3A_150 : memref<1x250xi32, #tpu.memory_space<vmem>> -> memref<250xi32, #tpu.memory_space<vmem>>
      %dma_start3A_152 = arith.constant 0 : i32
      %dma_start3A_153 = arith.constant 0 : i32
      %dma_start3A_154 = tpu.memref_slice %arg10[%dma_start3A_152, %dma_start3A_153] : memref<10240x80xf32, #tpu.memory_space<vmem_shared>> -> memref<10240x80xf32, #tpu.memory_space<vmem_shared>>
      tpu.enqueue_indirect_dma source(%dma_start3A_148 : memref<250x80xf32, #tpu.memory_space<vmem>>) target(%dma_start3A_154 : memref<10240x80xf32, #tpu.memory_space<vmem_shared>>) offsets(%dma_start3A_151 : memref<250xi32, #tpu.memory_space<vmem>>) semaphore(%arg12 : memref<!tpu.dma_semaphore, #tpu.memory_space<semaphore_mem>>) {add = true}
    }
    %scan3A_41 = arith.constant 20 : i32
    %dma_wait3A_42 = arith.constant 0 : i32
    %dma_wait3A_43 = arith.constant 38 : i32
    %dma_wait3A_44 = arith.constant 0 : i32
    %dma_wait3A_45 = arith.constant 0 : i32
    %dma_wait3A_46 = tpu.memref_slice %arg9[%dma_wait3A_42, %dma_wait3A_44, %dma_wait3A_45] : memref<2x250x80xf32, #tpu.memory_space<vmem>> -> memref<1x250x80xf32, #tpu.memory_space<vmem>>
    %dma_wait3A_47 = tpu.memref_squeeze %dma_wait3A_46 : memref<1x250x80xf32, #tpu.memory_space<vmem>> -> memref<250x80xf32, #tpu.memory_space<vmem>>
    %dma_wait3A_48 = arith.constant 0 : i32
    %dma_wait3A_49 = tpu.memref_slice %arg8[%dma_wait3A_43, %dma_wait3A_48] : memref<40x250xi32, #tpu.memory_space<vmem>> -> memref<1x250xi32, #tpu.memory_space<vmem>>
    %dma_wait3A_50 = tpu.memref_squeeze %dma_wait3A_49 : memref<1x250xi32, #tpu.memory_space<vmem>> -> memref<250xi32, #tpu.memory_space<vmem>>
    %dma_wait3A_51 = arith.constant 0 : i32
    %dma_wait3A_52 = arith.constant 0 : i32
    %dma_wait3A_53 = tpu.memref_slice %arg10[%dma_wait3A_51, %dma_wait3A_52] : memref<10240x80xf32, #tpu.memory_space<vmem_shared>> -> memref<10240x80xf32, #tpu.memory_space<vmem_shared>>
    tpu.wait_indirect_dma semaphore(%arg11 : memref<!tpu.dma_semaphore, #tpu.memory_space<semaphore_mem>>) src(%dma_wait3A_47 : memref<250x80xf32, #tpu.memory_space<vmem>>) dst(%dma_wait3A_53 : memref<10240x80xf32, #tpu.memory_space<vmem_shared>>)
    %dma_wait3A_54 = arith.constant 1 : i32
    %dma_wait3A_55 = arith.constant 39 : i32
    %dma_wait3A_56 = arith.constant 0 : i32
    %dma_wait3A_57 = arith.constant 0 : i32
    %dma_wait3A_58 = tpu.memref_slice %arg9[%dma_wait3A_54, %dma_wait3A_56, %dma_wait3A_57] : memref<2x250x80xf32, #tpu.memory_space<vmem>> -> memref<1x250x80xf32, #tpu.memory_space<vmem>>
    %dma_wait3A_59 = tpu.memref_squeeze %dma_wait3A_58 : memref<1x250x80xf32, #tpu.memory_space<vmem>> -> memref<250x80xf32, #tpu.memory_space<vmem>>
    %dma_wait3A_60 = arith.constant 0 : i32
    %dma_wait3A_61 = tpu.memref_slice %arg8[%dma_wait3A_55, %dma_wait3A_60] : memref<40x250xi32, #tpu.memory_space<vmem>> -> memref<1x250xi32, #tpu.memory_space<vmem>>
    %dma_wait3A_62 = tpu.memref_squeeze %dma_wait3A_61 : memref<1x250xi32, #tpu.memory_space<vmem>> -> memref<250xi32, #tpu.memory_space<vmem>>
    %dma_wait3A_63 = arith.constant 0 : i32
    %dma_wait3A_64 = arith.constant 0 : i32
    %dma_wait3A_65 = tpu.memref_slice %arg10[%dma_wait3A_63, %dma_wait3A_64] : memref<10240x80xf32, #tpu.memory_space<vmem_shared>> -> memref<10240x80xf32, #tpu.memory_space<vmem_shared>>
    tpu.wait_indirect_dma semaphore(%arg12 : memref<!tpu.dma_semaphore, #tpu.memory_space<semaphore_mem>>) src(%dma_wait3A_59 : memref<250x80xf32, #tpu.memory_space<vmem>>) dst(%dma_wait3A_65 : memref<10240x80xf32, #tpu.memory_space<vmem_shared>>)
    %barrier3A_66 = arith.constant 0 : index
    tpu.barrier barrier_id(%barrier3A_66)
    "tpu.region"() ({
      %run_scoped3A = tpu.sem_alloc : memref<!tpu.dma_semaphore, #tpu.memory_space<semaphore_mem>>
      %dma_start3A_67 = arith.constant 0 : i32
      %dma_start3A_68 = tpu.memref_slice %arg6[%arg0, %mul3A_2, %dma_start3A_67] : memref<2x10240x80xf32, #tpu.memory_space<hbm>> -> memref<1x640x80xf32, #tpu.memory_space<hbm>>
      %dma_start3A_69 = tpu.memref_squeeze %dma_start3A_68 : memref<1x640x80xf32, #tpu.memory_space<hbm>> -> memref<640x80xf32, #tpu.memory_space<hbm>>
      %dma_start3A_70 = arith.constant 0 : i32
      %dma_start3A_71 = tpu.memref_slice %arg10[%mul3A_2, %dma_start3A_70] : memref<10240x80xf32, #tpu.memory_space<vmem_shared>> -> memref<640x80xf32, #tpu.memory_space<vmem_shared>>
      tpu.enqueue_dma source(%dma_start3A_71 : memref<640x80xf32, #tpu.memory_space<vmem_shared>>) target(%dma_start3A_69 : memref<640x80xf32, #tpu.memory_space<hbm>>) target_semaphore(%run_scoped3A : memref<!tpu.dma_semaphore, #tpu.memory_space<semaphore_mem>>)
      %dma_wait3A_72 = arith.constant 0 : i32
      %dma_wait3A_73 = tpu.memref_slice %arg6[%arg0, %mul3A_2, %dma_wait3A_72] : memref<2x10240x80xf32, #tpu.memory_space<hbm>> -> memref<1x640x80xf32, #tpu.memory_space<hbm>>
      %dma_wait3A_74 = tpu.memref_squeeze %dma_wait3A_73 : memref<1x640x80xf32, #tpu.memory_space<hbm>> -> memref<640x80xf32, #tpu.memory_space<hbm>>
      %dma_wait3A_75 = arith.constant 0 : i32
      %dma_wait3A_76 = tpu.memref_slice %arg10[%mul3A_2, %dma_wait3A_75] : memref<10240x80xf32, #tpu.memory_space<vmem_shared>> -> memref<640x80xf32, #tpu.memory_space<vmem_shared>>
      tpu.wait_dma2 semaphore(%run_scoped3A : memref<!tpu.dma_semaphore, #tpu.memory_space<semaphore_mem>>) src(%dma_wait3A_76 : memref<640x80xf32, #tpu.memory_space<vmem_shared>>) dst(%dma_wait3A_74 : memref<640x80xf32, #tpu.memory_space<hbm>>)
      tpu.yield
    }) : () -> ()
    return
  }
}

module attributes {stable_mosaic.version = 14 : i64} {
  func.func @_tc_a_body(%arg0: memref<10000x128xf32, #tpu.memory_space<vmem>>, %arg1: memref<64x128xf32, #tpu.memory_space<vmem>>, %arg2: memref<64x128xf32, #tpu.memory_space<vmem>>, %arg3: memref<1x64xf32, #tpu.memory_space<vmem>>, %arg4: memref<10000x80xf32, #tpu.memory_space<vmem>>, %arg5: memref<10000x64xf32, #tpu.memory_space<vmem>>) attributes {dimension_semantics = [], scalar_prefetch = 0 : i64, scratch_operands = 0 : i64, tpu.core_type = #tpu.core_type<tc>} {
    %get3A = arith.constant 0 : index
    %get3A_0 = arith.constant 0 : index
    %get3A_1 = vector.load %arg0[%get3A, %get3A_0] : memref<10000x128xf32, #tpu.memory_space<vmem>>, vector<10000x128xf32>
    %get3A_2 = arith.constant 0 : index
    %get3A_3 = arith.constant 0 : index
    %get3A_4 = vector.load %arg1[%get3A_2, %get3A_3] : memref<64x128xf32, #tpu.memory_space<vmem>>, vector<64x128xf32>
    %dot_general3A = arith.constant dense<0.000000e+00> : vector<10000x64xf32>
    %dot_general3A_5 = tpu.matmul %get3A_1, %get3A_4, %dot_general3A {dimension_numbers = #tpu.dot_dimension_numbers<[1], [1], [0], [0], [0, 0, 1, 0], [], []>, transpose_lhs_hint = false} : vector<10000x128xf32>, vector<64x128xf32>, vector<10000x64xf32> -> vector<10000x64xf32>
    %broadcast_in_dim3A = arith.constant 1.000000e+00 : f32
    %broadcast_in_dim3A_6 = vector.broadcast %broadcast_in_dim3A : f32 to vector<10000x1xf32>
    %broadcast_in_dim3A_7 = arith.constant 0.000000e+00 : f32
    %broadcast_in_dim3A_8 = vector.broadcast %broadcast_in_dim3A_7 : f32 to vector<10000x15xf32>
    %concatenate3A = tpu.concatenate %dot_general3A_5, %broadcast_in_dim3A_6, %broadcast_in_dim3A_8 in 1 : vector<10000x64xf32>, vector<10000x1xf32>, vector<10000x15xf32> -> vector<10000x80xf32>
    %swap3A = arith.constant 0 : index
    %swap3A_9 = arith.constant 0 : index
    %swap3A_10 = vector.load %arg4[%swap3A, %swap3A_9] : memref<10000x80xf32, #tpu.memory_space<vmem>>, vector<10000x80xf32>
    tpu.vector_store %arg4[%swap3A, %swap3A_9], %concatenate3A {strides = array<i32>} : memref<10000x80xf32, #tpu.memory_space<vmem>>, vector<10000x80xf32>,
    %get3A_11 = arith.constant 0 : index
    %get3A_12 = arith.constant 0 : index
    %get3A_13 = vector.load %arg2[%get3A_11, %get3A_12] : memref<64x128xf32, #tpu.memory_space<vmem>>, vector<64x128xf32>
    %dot_general3A_14 = arith.constant dense<0.000000e+00> : vector<10000x64xf32>
    %dot_general3A_15 = tpu.matmul %get3A_1, %get3A_13, %dot_general3A_14 {dimension_numbers = #tpu.dot_dimension_numbers<[1], [1], [0], [0], [0, 0, 1, 0], [], []>, transpose_lhs_hint = false} : vector<10000x128xf32>, vector<64x128xf32>, vector<10000x64xf32> -> vector<10000x64xf32>
    %get3A_16 = arith.constant 0 : index
    %get3A_17 = arith.constant 0 : index
    %get3A_18 = vector.load %arg3[%get3A_16, %get3A_17] : memref<1x64xf32, #tpu.memory_space<vmem>>, vector<1x64xf32>
    %add3A = vector.broadcast %get3A_18 : vector<1x64xf32> to vector<10000x64xf32>
    %add3A_19 = arith.addf %dot_general3A_15, %add3A : vector<10000x64xf32>
    %swap3A_20 = arith.constant 0 : index
    %swap3A_21 = arith.constant 0 : index
    %swap3A_22 = vector.load %arg5[%swap3A_20, %swap3A_21] : memref<10000x64xf32, #tpu.memory_space<vmem>>, vector<10000x64xf32>
    tpu.vector_store %arg5[%swap3A_20, %swap3A_21], %add3A_19 {strides = array<i32>} : memref<10000x64xf32, #tpu.memory_space<vmem>>, vector<10000x64xf32>,
    return
  }
}

module attributes {stable_mosaic.version = 14 : i64} {
  func.func @_tc_b_body(%arg0: memref<2x10240x80xf32, #tpu.memory_space<vmem>>, %arg1: memref<10000x64xf32, #tpu.memory_space<vmem>>, %arg2: memref<128x64xf32, #tpu.memory_space<vmem>>, %arg3: memref<1x128xf32, #tpu.memory_space<vmem>>, %arg4: memref<10000x64xf32, #tpu.memory_space<vmem>>, %arg5: memref<10000x128xf32, #tpu.memory_space<vmem>>, %arg6: memref<10000x8xf32, #tpu.memory_space<vmem>>) attributes {dimension_semantics = [], scalar_prefetch = 0 : i64, scratch_operands = 0 : i64, tpu.core_type = #tpu.core_type<tc>} {
    %get3A = arith.constant 0 : index
    %get3A_0 = arith.constant 0 : index
    %get3A_1 = arith.constant 0 : index
    %get3A_2 = vector.load %arg0[%get3A, %get3A_0, %get3A_1] : memref<2x10240x80xf32, #tpu.memory_space<vmem>>, vector<1x10240x80xf32>
    %get3A_3 = vector.shape_cast %get3A_2 : vector<1x10240x80xf32> to vector<10240x80xf32>
    %get3A_4 = arith.constant 1 : index
    %get3A_5 = arith.constant 0 : index
    %get3A_6 = arith.constant 0 : index
    %get3A_7 = vector.load %arg0[%get3A_4, %get3A_5, %get3A_6] : memref<2x10240x80xf32, #tpu.memory_space<vmem>>, vector<1x10240x80xf32>
    %get3A_8 = vector.shape_cast %get3A_7 : vector<1x10240x80xf32> to vector<10240x80xf32>
    %add3A = arith.addf %get3A_3, %get3A_8 : vector<10240x80xf32>
    %slice3A = vector.extract_strided_slice %add3A {offsets = [0, 0], sizes = [10000, 80], strides = [1, 1]} : vector<10240x80xf32> to vector<10000x80xf32>
    %slice3A_9 = vector.extract_strided_slice %slice3A {offsets = [0, 64], sizes = [10000, 1], strides = [1, 1]} : vector<10000x80xf32> to vector<10000x1xf32>
    %max3A = arith.constant 1.000000e+00 : f32
    %max3A_10 = vector.broadcast %max3A : f32 to vector<10000x1xf32>
    %max3A_11 = arith.maximumf %slice3A_9, %max3A_10 : vector<10000x1xf32>
    %div3A = arith.constant 1.000000e+00 : f32
    %div3A_12 = vector.broadcast %div3A : f32 to vector<10000x1xf32>
    %div3A_13 = arith.divf %div3A_12, %max3A_11 : vector<10000x1xf32>
    %slice3A_14 = vector.extract_strided_slice %slice3A {offsets = [0, 0], sizes = [10000, 64], strides = [1, 1]} : vector<10000x80xf32> to vector<10000x64xf32>
    %mul3A = vector.broadcast %div3A_13 : vector<10000x1xf32> to vector<10000x64xf32>
    %mul3A_15 = arith.mulf %slice3A_14, %mul3A : vector<10000x64xf32>
    %get3A_16 = arith.constant 0 : index
    %get3A_17 = arith.constant 0 : index
    %get3A_18 = vector.load %arg1[%get3A_16, %get3A_17] : memref<10000x64xf32, #tpu.memory_space<vmem>>, vector<10000x64xf32>
    %add3A_19 = arith.addf %mul3A_15, %get3A_18 : vector<10000x64xf32>
    %max3A_20 = arith.constant 0.000000e+00 : f32
    %max3A_21 = vector.broadcast %max3A_20 : f32 to vector<10000x64xf32>
    %max3A_22 = arith.maximumf %add3A_19, %max3A_21 : vector<10000x64xf32>
    %swap3A = arith.constant 0 : index
    %swap3A_23 = arith.constant 0 : index
    %swap3A_24 = vector.load %arg4[%swap3A, %swap3A_23] : memref<10000x64xf32, #tpu.memory_space<vmem>>, vector<10000x64xf32>
    tpu.vector_store %arg4[%swap3A, %swap3A_23], %max3A_22 {strides = array<i32>} : memref<10000x64xf32, #tpu.memory_space<vmem>>, vector<10000x64xf32>,
    %get3A_25 = arith.constant 0 : index
    %get3A_26 = arith.constant 0 : index
    %get3A_27 = vector.load %arg2[%get3A_25, %get3A_26] : memref<128x64xf32, #tpu.memory_space<vmem>>, vector<128x64xf32>
    %dot_general3A = arith.constant dense<0.000000e+00> : vector<10000x128xf32>
    %dot_general3A_28 = tpu.matmul %max3A_22, %get3A_27, %dot_general3A {dimension_numbers = #tpu.dot_dimension_numbers<[1], [1], [0], [0], [0, 0, 1, 0], [], []>, transpose_lhs_hint = false} : vector<10000x64xf32>, vector<128x64xf32>, vector<10000x128xf32> -> vector<10000x128xf32>
    %get3A_29 = arith.constant 0 : index
    %get3A_30 = arith.constant 0 : index
    %get3A_31 = vector.load %arg3[%get3A_29, %get3A_30] : memref<1x128xf32, #tpu.memory_space<vmem>>, vector<1x128xf32>
    %add3A_32 = vector.broadcast %get3A_31 : vector<1x128xf32> to vector<10000x128xf32>
    %add3A_33 = arith.addf %dot_general3A_28, %add3A_32 : vector<10000x128xf32>
    %swap3A_34 = arith.constant 0 : index
    %swap3A_35 = arith.constant 0 : index
    %swap3A_36 = vector.load %arg5[%swap3A_34, %swap3A_35] : memref<10000x128xf32, #tpu.memory_space<vmem>>, vector<10000x128xf32>
    tpu.vector_store %arg5[%swap3A_34, %swap3A_35], %add3A_33 {strides = array<i32>} : memref<10000x128xf32, #tpu.memory_space<vmem>>, vector<10000x128xf32>,
    %broadcast_in_dim3A = vector.shape_cast %div3A_13 : vector<10000x1xf32> to vector<10000x1xf32>
    %broadcast_in_dim3A_37 = vector.broadcast %broadcast_in_dim3A : vector<10000x1xf32> to vector<10000x8xf32>
    %swap3A_38 = arith.constant 0 : index
    %swap3A_39 = arith.constant 0 : index
    %swap3A_40 = vector.load %arg6[%swap3A_38, %swap3A_39] : memref<10000x8xf32, #tpu.memory_space<vmem>>, vector<10000x8xf32>
    tpu.vector_store %arg6[%swap3A_38, %swap3A_39], %broadcast_in_dim3A_37 {strides = array<i32>} : memref<10000x8xf32, #tpu.memory_space<vmem>>, vector<10000x8xf32>,
    return
  }
}

module attributes {stable_mosaic.version = 14 : i64} {
  func.func @_tc_c_body(%arg0: memref<2x10240x64xf32, #tpu.memory_space<vmem>>, %arg1: memref<10000x8xf32, #tpu.memory_space<vmem>>, %arg2: memref<10000x128xf32, #tpu.memory_space<vmem>>, %arg3: memref<128x64xf32, #tpu.memory_space<vmem>>, %arg4: memref<10000x128xf32, #tpu.memory_space<vmem>>) attributes {dimension_semantics = [], scalar_prefetch = 0 : i64, scratch_operands = 0 : i64, tpu.core_type = #tpu.core_type<tc>} {
    %get3A = arith.constant 0 : index
    %get3A_0 = arith.constant 0 : index
    %get3A_1 = arith.constant 0 : index
    %get3A_2 = vector.load %arg0[%get3A, %get3A_0, %get3A_1] : memref<2x10240x64xf32, #tpu.memory_space<vmem>>, vector<1x10240x64xf32>
    %get3A_3 = vector.shape_cast %get3A_2 : vector<1x10240x64xf32> to vector<10240x64xf32>
    %get3A_4 = arith.constant 1 : index
    %get3A_5 = arith.constant 0 : index
    %get3A_6 = arith.constant 0 : index
    %get3A_7 = vector.load %arg0[%get3A_4, %get3A_5, %get3A_6] : memref<2x10240x64xf32, #tpu.memory_space<vmem>>, vector<1x10240x64xf32>
    %get3A_8 = vector.shape_cast %get3A_7 : vector<1x10240x64xf32> to vector<10240x64xf32>
    %add3A = arith.addf %get3A_3, %get3A_8 : vector<10240x64xf32>
    %slice3A = vector.extract_strided_slice %add3A {offsets = [0, 0], sizes = [10000, 64], strides = [1, 1]} : vector<10240x64xf32> to vector<10000x64xf32>
    %get3A_9 = arith.constant 0 : index
    %get3A_10 = arith.constant 0 : index
    %get3A_11 = vector.load %arg1[%get3A_9, %get3A_10] : memref<10000x8xf32, #tpu.memory_space<vmem>>, vector<10000x1xf32>
    %mul3A = vector.broadcast %get3A_11 : vector<10000x1xf32> to vector<10000x64xf32>
    %mul3A_12 = arith.mulf %slice3A, %mul3A : vector<10000x64xf32>
    %get3A_13 = arith.constant 0 : index
    %get3A_14 = arith.constant 0 : index
    %get3A_15 = vector.load %arg3[%get3A_13, %get3A_14] : memref<128x64xf32, #tpu.memory_space<vmem>>, vector<128x64xf32>
    %dot_general3A = arith.constant dense<0.000000e+00> : vector<10000x128xf32>
    %dot_general3A_16 = tpu.matmul %mul3A_12, %get3A_15, %dot_general3A {dimension_numbers = #tpu.dot_dimension_numbers<[1], [1], [0], [0], [0, 0, 1, 0], [], []>, transpose_lhs_hint = false} : vector<10000x64xf32>, vector<128x64xf32>, vector<10000x128xf32> -> vector<10000x128xf32>
    %get3A_17 = arith.constant 0 : index
    %get3A_18 = arith.constant 0 : index
    %get3A_19 = vector.load %arg2[%get3A_17, %get3A_18] : memref<10000x128xf32, #tpu.memory_space<vmem>>, vector<10000x128xf32>
    %add3A_20 = arith.addf %dot_general3A_16, %get3A_19 : vector<10000x128xf32>
    %reduce_max3A = arith.constant dense<0xFF800000> : vector<10000xf32>
    %reduce_max3A_21 = vector.multi_reduction <maximumf>, %add3A_20, %reduce_max3A [1] : vector<10000x128xf32> to vector<10000xf32>
    %broadcast_in_dim3A = vector.shape_cast %reduce_max3A_21 : vector<10000xf32> to vector<10000x1xf32>
    %sub3A = vector.broadcast %broadcast_in_dim3A : vector<10000x1xf32> to vector<10000x128xf32>
    %sub3A_22 = arith.subf %add3A_20, %sub3A : vector<10000x128xf32>
    %exp3A = math.exp %sub3A_22 : vector<10000x128xf32>
    %reduce_sum3A = arith.constant dense<0.000000e+00> : vector<10000xf32>
    %reduce_sum3A_23 = vector.multi_reduction <add>, %exp3A, %reduce_sum3A [1] : vector<10000x128xf32> to vector<10000xf32>
    %broadcast_in_dim3A_24 = vector.shape_cast %reduce_sum3A_23 : vector<10000xf32> to vector<10000x1xf32>
    %log3A = math.log %broadcast_in_dim3A_24 : vector<10000x1xf32>
    %add3A_25 = arith.addf %log3A, %broadcast_in_dim3A : vector<10000x1xf32>
    %sub3A_26 = vector.broadcast %add3A_25 : vector<10000x1xf32> to vector<10000x128xf32>
    %sub3A_27 = arith.subf %add3A_20, %sub3A_26 : vector<10000x128xf32>
    %swap3A = arith.constant 0 : index
    %swap3A_28 = arith.constant 0 : index
    %swap3A_29 = vector.load %arg4[%swap3A, %swap3A_28] : memref<10000x128xf32, #tpu.memory_space<vmem>>, vector<10000x128xf32>
    tpu.vector_store %arg4[%swap3A, %swap3A_28], %sub3A_27 {strides = array<i32>} : memref<10000x128xf32, #tpu.memory_space<vmem>>, vector<10000x128xf32>,
    return
  }
}

</mosaic_0001>

<sc_bundles>
// kernel: kernel.10.cloned.1.call-start
scs
__scs_entry_jumppad:
0x0: {  	(pc) =	sbr.rel $0x88, $3  }
0x1: {  	(tag) =	ssettag $0x0;
	lr =	simm.s32 $0x1  }
0x2: {  	[smem:$0x3F99] =	sst lr;
	_ =	strace $0xD0000000  }
0x3: {  	_ = 	snop  }
0x4: {  	_ = 	snop  }
0x5: {  	_ = 	snop  }
0x6: {  	_ = 	snop  }
0x7: {  	_ = 	snop  }
__scs_overlays_trampoline_lowered:
0x8: {  	[smem:$0x3FA8] =	sst s0  }
0x9: {  	[smem:$0x3FA9] =	sst s1  }
0xa: {  	[smem:$0x3FAA] =	sst s2  }
0xb: {  	[smem:$0x3FAB] =	sst s3  }
0xc: {  	[smem:$0x3FAC] =	sst s4  }
0xd: {  	[smem:$0x3FAD] =	sst s5  }
0xe: {  	[smem:$0x3FAE] =	sst s6  }
0xf: {  	[smem:$0x3FAF] =	sst s7  }
0x10: {  	[smem:$0x3FB0] =	sst s8  }
0x11: {  	[smem:$0x3FB1] =	sst s9;
	s0 =	simm.s32 @!p0 $0x0  }
0x12: {  	s1 =	sld [smem:$0x3F97];
	s0 =	simm.s32 @p0 $0x1  }
0x13: {  	[smem:$0x3FB2] =	sst s0;
	s0 =	simm.s32 @!p1 $0x0  }
0x14: {  	s2 =	sld [smem:$0x3F96];
	s0 =	simm.s32 @p1 $0x1  }
0x15: {  	[smem:$0x3FB3] =	sst s0;
	s0 =	simm.s32 @!p2 $0x0  }
0x16: {  	s3 =	sld [smem:$0x3FDB];
	s0 =	simm.s32 @p2 $0x1  }
0x17: {  	s4 =	simm.s32 $0x1BF5;
	[smem:$0x3FB5] =	sst s0  }
0x18: {  	s0 =	sld [smem:$0x3F98];
	_ =	swait.ge [sflag:s4], $0x0  }
0x19: {  	s7 =	sld [smem:$0x3F99]  }
0x1a: {  	s8 =	sadd.s32 $0xFFFFE003, lr  }
0x1b: {  	s9 =	sadd.s32 $0xFFFFFEF7, lr;
	s5 =	simm.s32 $0xFFFFFFFF;
	p2 =	slt.u32 s8, $0xFFFFF086  }
0x1c: {  	p1 =	slt.u32 s9, $0xF7A;
	s5 =	simm.s32 @!p2 $0x0  }
0x1d: {  	s5 =	simm.s32 @p1 $0x1;
	p0 =	seq.s32 s7, s2  }
0x1e: {  	s7 =	smul.u32 @!p0 $0xF7A, s2;
	p2 =	seq.s32 @!p0 s5, $0x0  }
0x1f: {  	s9 =	smul.u32 $0xF7A, s1;
	s8 =	simm.s32 @!p0 $0x1BF5;
	p2 =	por !p2, p0  }
0x20: {  	[sflag:s8] =	ssyncset.s32 @!p0 $0xFFFFF086;
	s6 =	sadd.s32 @!p0 s3, s7;
	s7 =	simm.s32 @!p0 $0x108  }
0x21: {  	s3 =	sadd.s32 s3, s9;
	s6 =	sadd.s32 @!p0 $0x88, s6;
	s7 =	simm.s32 @p2 $0x1082  }
0x22: {  	[simem:s7], [sflag:s8] =	dma.local @!p0 [hbm:s6], $0xF7A  }
0x23: {  	s9 =	sor.u32 $0xD0000000, s2;
	s6 =	simm.s32 $0x108;
	_ =	swait.ge @!p0 [sflag:s8], $0x0  }
0x24: {  	s3 =	sadd.s32 $0x88, s3;
	s6 =	simm.s32 @!p1 $0x1082;
	[sflag:s4] =	ssyncset.s32 $0xFFFFF086  }
0x25: {  	[simem:s6], [sflag:s4] =	dma.local [hbm:s3], $0xF7A  }
0x26: {  	[smem:$0x3F99] =	sst s1;
	(tag) =	ssettag s2;
	_ =	strace s9  }
0x27: {  	s1 =	sld [smem:$0x3FA9]  }
0x28: {  	s2 =	sld [smem:$0x3FAA]  }
0x29: {  	s4 =	sld [smem:$0x3FAC]  }
0x2a: {  	p0 =	seq.s32 s5, $0x0;
	s5 =	sld [smem:$0x3FAD]  }
0x2b: {  	s6 =	sld [smem:$0x3FAE]  }
0x2c: {  	s7 =	sld [smem:$0x3FAF]  }
0x2d: {  	s3 =	simm.s32 $0x108;
	s8 =	sld [smem:$0x3FB0]  }
0x2e: {  	s3 =	simm.s32 @!p0 $0x1082;
	s9 =	sld [smem:$0x3FB1]  }
0x2f: {  	lr =	sadd.s32 s0, s3;
	s0 =	sld [smem:$0x3FA8]  }
0x30: {  	s3 =	sld [smem:$0x3FAB]  }
0x31: {  	[smem:$0x3FB4] =	sst s10  }
0x32: {  	s10 =	sld [smem:$0x3FB2];
	_ =	sdelay $0x3  }
0x33: {  	p0 =	seq.s32 s10, $0x1;
	s10 =	sld [smem:$0x3FB4];
	_ =	sdelay $0x3  }
0x34: {  	[smem:$0x3FB4] =	sst s10  }
0x35: {  	s10 =	sld [smem:$0x3FB3];
	_ =	sdelay $0x3  }
0x36: {  	p1 =	seq.s32 s10, $0x1;
	s10 =	sld [smem:$0x3FB4];
	_ =	sdelay $0x3  }
0x37: {  	[smem:$0x3FB4] =	sst s10  }
0x38: {  	s10 =	sld [smem:$0x3FB5]  }
0x39: {  	_ = 	snop;
	(pc) =	sbr.ind lr, $3  }
0x3a: {  	_ = 	snop  }
0x3b: {  	_ = 	snop  }
0x3c: {  	p2 =	seq.s32 s10, $0x1;
	s10 =	sld [smem:$0x3FB4]  }
0x3d: {  	_ =	shalt  }
0x3e: {  	_ =	shalt  }
0x3f: {  	_ =	shalt  }
0x40: {  	_ =	shalt  }
0x41: {  	_ =	shalt  }
0x42: {  	_ =	shalt  }
0x43: {  	_ =	shalt  }
0x44: {  	_ =	shalt  }
0x45: {  	_ =	shalt  }
0x46: {  	_ =	shalt  }
0x47: {  	_ =	shalt  }
0x48: {  	_ =	shalt  }
0x49: {  	_ =	shalt  }
0x4a: {  	_ =	shalt  }
0x4b: {  	_ =	shalt  }
0x4c: {  	_ =	shalt  }
0x4d: {  	_ =	shalt  }
0x4e: {  	_ =	shalt  }
0x4f: {  	_ =	shalt  }
0x50: {  	_ =	shalt  }
0x51: {  	_ =	shalt  }
0x52: {  	_ =	shalt  }
0x53: {  	_ =	shalt  }
0x54: {  	_ =	shalt  }
0x55: {  	_ =	shalt  }
0x56: {  	_ =	shalt  }
0x57: {  	_ =	shalt  }
0x58: {  	_ =	shalt  }
0x59: {  	_ =	shalt  }
0x5a: {  	_ =	shalt  }
0x5b: {  	_ =	shalt  }
0x5c: {  	_ =	shalt  }
0x5d: {  	_ =	shalt  }
0x5e: {  	_ =	shalt  }
0x5f: {  	_ =	shalt  }
0x60: {  	_ =	shalt  }
0x61: {  	_ =	shalt  }
0x62: {  	_ =	shalt  }
0x63: {  	_ =	shalt  }
0x64: {  	_ =	shalt  }
0x65: {  	_ =	shalt  }
0x66: {  	_ =	shalt  }
0x67: {  	_ =	shalt  }
0x68: {  	_ =	shalt  }
0x69: {  	_ =	shalt  }
0x6a: {  	_ =	shalt  }
0x6b: {  	_ =	shalt  }
0x6c: {  	_ =	shalt  }
0x6d: {  	_ =	shalt  }
0x6e: {  	_ =	shalt  }
0x6f: {  	_ =	shalt  }
0x70: {  	_ =	shalt  }
0x71: {  	_ =	shalt  }
0x72: {  	_ =	shalt  }
0x73: {  	_ =	shalt  }
0x74: {  	_ =	shalt  }
0x75: {  	_ =	shalt  }
0x76: {  	_ =	shalt  }
0x77: {  	_ =	shalt  }
0x78: {  	_ =	shalt  }
0x79: {  	_ =	shalt  }
0x7a: {  	_ =	shalt  }
0x7b: {  	_ =	shalt  }
0x7c: {  	_ =	shalt  }
0x7d: {  	_ =	shalt  }
0x7e: {  	_ =	shalt  }
0x7f: {  	_ =	shalt  }
0x80: {  	_ =	shalt  }
0x81: {  	_ =	shalt  }
0x82: {  	_ =	shalt  }
0x83: {  	_ =	shalt  }
0x84: {  	_ =	shalt  }
0x85: {  	_ =	shalt  }
0x86: {  	_ =	shalt  }
0x87: {  	_ =	shalt  }
.Lfunc_end0:
.L_simem_size_0:
called_computation.1_lowered:
.L_overlay_start_0:
0x88: {  	s2 =	sld [smem:$0x3FD9]  }
0x89: {  	s3 =	sld [smem:$0x3FFE];
	_ =	sdelay $0x1  }
0x8a: {  	s1 =	srdreg.scid  }
0x8b: {  	s0 =	sand.u32 $0x1, s1  }
0x8c: {  	s16 =	sshll.u32 s0, $0xA;
	s2 =	sadd.s32 s3, s2  }
0x8d: {  	s2 =	sadd.s32 s2, s16  }
0x8e: {  	[smem:$0x3FC0] =	sst s2  }
0x8f: {  	_ = 	snop  }
0x90: {  	(tm) =	ssettm $0x1  }
0x91: {  	s17 =	sld [smem:$0x3FFB];
	_ =	sdelay $0x3  }
0x92: {  	_ =	strace s17  }
0x93: {  	s2 =	sld [smem:$0x3FFC];
	_ =	sdelay $0x3  }
0x94: {  	_ =	strace s2  }
0x95: {  	s2 =	sld [smem:$0x3FFD];
	_ =	sdelay $0x3  }
0x96: {  	_ =	strace s2  }
0x97: {  	_ =	strace $0x8FFFFFFF  }
0x98: {  	s18 =	sld [smem:$0x3FDB];
	_ =	sdelay $0x1  }
0x99: {  	s19 =	simm.s32 $_scs_section_size  }
0x9a: {  	s4 =	simm.s32 $_size__tile_overlayer_lowered;
	s5 =	simm.s32 $_tile_overlayer_lowered  }
0x9b: {  	s22 =	simm.s32 $0x1BFF;
	s21 =	sshll.u32 s5, $0x1;
	s2 =	sadd.s32 s19, s18  }
0x9c: {  	s6 =	simm.s32 $0x0;
	s20 =	sshll.u32 s4, $0x1;
	s4 =	sadd.s32 s21, s2  }
0x9d: {  	[timem:s6], [sflag:s22] =	dma.local [hbm:s4], s20  }
0x9e: {  	_ =	swait.ge [sflag:s22], s20  }
0x9f: {  	s3 =	ssub.s32 $0x0, s20;
	[sflag:s22] =	ssyncset.done $0x0  }
0xa0: {  	[sflag:s22] =	ssyncadd.s32 s3;
	_ =	sdelay $0x1  }
0xa1: {  	s23 =	simm.s32 $0x1B8B  }
0xa2: {  	_ =	swait.ge [sflag:s23], $0x1  }
0xa3: {  	[sflag:s23] =	ssyncset.done $0x0  }
0xa4: {  	s25 =	simm.s32 $0x1B8E;
	s24 =	sld [smem:$0x3FFE];
	[sflag:s23] =	ssyncadd.s32 $0xFFFFFFFF  }
0xa5: {  	s26 =	simm.s32 $execute0_lowered;
	[smem:$0x3FD2] =	sst s25  }
0xa6: {  	s4 =	sshll.u32 s26, $0x1;
	_ =	strace $0x80000049;
	[dreg:$0x1] =	wrdreg $0xFFFFFFFF  }
0xa7: {  	s28 =	simm.s32 $_size_execute0_lowered;
	s2 =	sadd.s32 s2, s4;
	[dreg:$0x0] =	wrdreg $0x0  }
0xa8: {  	s4 =	sshll.u32 s28, $0x1;
	[dreg:$0x2] =	wrdreg s2  }
0xa9: {  	[dreg:$0x3] =	wrdreg s4  }
0xaa: {  	[dreg:$0x4] =	wrdreg $0xC0  }
0xab: {  	_ =	task [dreg:s6], $0x5FFFF  }
0xac: {  	[dreg:$0x1] =	wrdreg $0xFFFFFFFF  }
0xad: {  	[dreg:$0x0] =	wrdreg $0x60  }
0xae: {  	[dreg:$0x2] =	wrdreg s24  }
0xaf: {  	[dreg:$0x3] =	wrdreg $0x148C00  }
0xb0: {  	[dreg:$0x4] =	wrdreg $0x9  }
0xb1: {  	_ =	task.clear_ibuf [dreg:s6], $0x5FFFF;
	_ =	strace $0x90000049  }
0xb2: {  	s29 =	simm.s32 $0x9;
	_ =	strace $0x8000004B  }
0xb3: {  	_ =	swait.ge [sflag:s29], $0x1  }
0xb4: {  	[sflag:s29] =	ssyncadd.s32 $0xFFFFFFFF  }
0xb5: {  	_ =	strace $0x9000004B  }
0xb6: {  	_ =	sfence  }
0xb7: {  	s30 =	sld [smem:$0x0];
	_ =	sdelay $0x2  }
0xb8: {  	s31 =	sshll.u32 s1, $0xD;
	s1 =	sshrl.u32 s1, $0x2  }
0xb9: {  	s3 =	sand.u32 $0x4000, s31;
	s1 =	sadd.s32 s1, s30  }
0xba: {  	s0 =	sor.u32 s3, s0;
	s1 =	sshll.u32 s1, $0x11  }
0xbb: {  	s0 =	sor.u32 s1, s0  }
0xbc: {  	s0 =	sadd.s32 $0x8F2B, s0  }
0xbd: {  	[sflag:s0] =	ssyncadd.remote.s32 $0x1  }
0xbe: {  	_ =	sfence.sel $0xFFFF  }
0xbf: {  	[dreg:$0x0] =	wrdreg $0xFFFFFFFF;
	(pc) =	sbr.abs _section_cstart, $3  }
0xc0: {  	[dreg:$0x1] =	wrdreg $0xFFFFFFFF  }
0xc1: {  	_ =	task.clear_ibuf [dreg:s6], $0x2FFFF;
	_ =	strace $0x9FFFFFFF  }
0xc2: {  	(tm) =	ssettm $0x7FFFFFFF  }
0xc3: {  	_ =	shalt  }
tec
execute0_lowered:
.L_overlay_start_1:
0x0: {  	(tag) =	ssettag $0x1  }
0x1: {  	s1 =	rddreg [dreg:$0x0]  }
0x2: {  	s2 =	rddreg [dreg:$0x1];
	s29 =	simm.s32 $0x0  }
0x3: {  	[smem:$0x7FF] =	sst s29;
	s7 =	sadd.s32 $0x15C00, s1  }
0x4: {  	s24 =	simm.s32 $0x1F8;
	_ =	strace $0x8000004A;
	[dreg:$0x3] =	wrdreg s7  }
0x5: {  	s25 =	simm.s32 $0x2958;
	[dreg:$0x8] =	wrdreg s24  }
0x6: {  	s26 =	simm.s32 $0x3F0;
	[dreg:$0x9] =	wrdreg s25  }
0x7: {  	s8 =	simm.s32 $0x2D48;
	[dreg:$0xa] =	wrdreg s26  }
0x8: {  	s9 =	simm.s32 $0x7E0;
	[dreg:$0xd] =	wrdreg s8  }
0x9: {  	s0 =	srdreg.scid;
	s10 =	simm.s32 $0x2F40;
	[dreg:$0xe] =	wrdreg s9  }
0xa: {  	s31 =	stileid.u32;
	s11 =	simm.s32 $0x9D8;
	[dreg:$0xf] =	wrdreg s10  }
0xb: {  	s12 =	simm.s32 $0x3138;
	s13 =	simm.s32 $0xBD0;
	[dreg:$0x10] =	wrdreg s11  }
0xc: {  	s15 =	simm.s32 $0x3330;
	s16 =	simm.s32 $0xDC8;
	[dreg:$0x11] =	wrdreg s12  }
0xd: {  	s17 =	simm.s32 $0x3528;
	s18 =	simm.s32 $0xFC0;
	[dreg:$0x12] =	wrdreg s13  }
0xe: {  	s19 =	simm.s32 $0x3720;
	s30 =	simm.s32 $0x2760;
	[dreg:$0x13] =	wrdreg s15  }
0xf: {  	s20 =	simm.s32 $0x11B8;
	s21 =	simm.s32 $0x3918;
	[dreg:$0x14] =	wrdreg s16  }
0x10: {  	s28 =	simm.s32 $0x3F00;
	p0 =	por $0x0, $0x0;
	[dreg:$0x15] =	wrdreg s17  }
0x11: {  	s0 =	sand.u32 $0x1, s0;
	s3 =	sshll.u32 s31, $0x1;
	[dreg:$0x16] =	wrdreg s18  }
0x12: {  	s5 =	smul.u32 $0xA000, s31;
	s3 =	sor.u32 s0, s3;
	[dreg:$0x17] =	wrdreg s19  }
0x13: {  	s4 =	smul.u32 $0xA0000, s0;
	s7 =	simm.s32 $0x5E8;
	[dreg:$0x18] =	wrdreg s20  }
0x14: {  	s0 =	ssub.s32 $0x2, s0;
	[dreg:$0x19] =	wrdreg s21;
	s11 =	simm.s32 $0x4EC0  }
0x15: {  	s8 =	simm.s32 $0xCBC0;
	s24 =	simm.s32 $0x15A8;
	s9 =	simm.s32 $0x1  }
0x16: {  	s25 =	simm.s32 $0x3D08;
	s10 =	simm.s32 $0x2;
	s26 =	simm.s32 $0x17A0  }
0x17: {  	s21 =	simm.s32 $0x44E8;
	s20 =	simm.s32 $0x1F80;
	s19 =	simm.s32 $0x46E0  }
0x18: {  	s18 =	simm.s32 $0x2178;
	s16 =	simm.s32 $0x48D8;
	s17 =	simm.s32 $0x2370  }
0x19: {  	s15 =	simm.s32 $0x4AD0;
	s13 =	simm.s32 $0x4CC8;
	[dreg:$0xc] =	wrdreg s7  }
0x1a: {  	s12 =	simm.s32 $0x4;
	s3 =	smul.u32 $0x4EC, s3;
	[dreg:$0x1c] =	wrdreg s24  }
0x1b: {  	s14 =	sshrl.u32 s0, $0x1;
	s7 =	simm.s32 $0x1F4;
	[dreg:$0x1d] =	wrdreg s25  }
0x1c: {  	[dreg:$0x1e] =	wrdreg s26;
	s26 =	simm.s32 $0x1998;
	s25 =	simm.s32 $0x40F8  }
0x1d: {  	s24 =	simm.s32 $0x1B90;
	s4 =	sadd.s32 s5, s4;
	s0 =	ssub.s32 s0, s14  }
0x1e: {  	s5 =	sadd.s32 s5, s2;
	s6 =	sadd.s32 s3, s1;
	s3 =	sshll.u32 s31, $0x6  }
0x1f: {  	s14 =	simm.s32 $0x2568;
	s4 =	sshrl.u32 s4, $0x3;
	s22 =	sor.u32 $0x1C03, s3  }
0x20: {  	s0 =	smax.u32 s0, $0x1;
	s23 =	sadd.s32 $0x53A00, s6;
	[dreg:$0x4] =	wrdreg s22  }
0x21: {  	s4 =	sadd.s32 s4, s1;
	s6 =	sadd.s32 $0x49C00, s6;
	[dreg:$0x5] =	wrdreg s23  }
0x22: {  	p1 =	sne.s32 s0, $0x1;
	[dreg:$0x6] =	wrdreg s6;
	s4 =	sadd.s32 $0x17000, s4  }
.Ltmp0:
0x23: {  	s6 =	simm.s32 $0x2B50;
	[dreg:$0x7] =	wrdreg s4;
	(pc) =	sbr.rel @!p1 .LBB2_5-.Ltmp0, $4  }
0x24: {  	s5 =	sshrl.u32 s5, $0x3;
	s22 =	simm.s32 $0x13B0;
	[dreg:$0xb] =	wrdreg s6  }
0x25: {  	s23 =	simm.s32 $0x3B10;
	s4 =	sadd.s32 $0x2200, s1;
	[dreg:$0x1a] =	wrdreg s22  }
0x26: {  	s6 =	simm.s32 $0x3;
	[dreg:$0x1b] =	wrdreg s23;
	s23 =	simm.s32 $0x42F0  }
0x27: {  	s22 =	simm.s32 $0x1D88;
	s1 =	sadd.s32 $0xFFFFFFFF, s0;
	s0 =	rddreg [dreg:$0x3]  }
0x28: {  	s31 =	rddreg [dreg:$0x4]  }
0x29: {  	[spmem:s5], [sflag:s31] =	dma.local [hbm:s0], $0x1400  }
0x2a: {  	s0 =	rddreg [dreg:$0x5]  }
0x2b: {  	[tilespmem:s29], [sflag:$0x3] =	stream.linear.gather [hbm4b:s0+s29], $0x2760, $0x38;
	[tilespmem:$0x1E8C0] =	vst v63  }
0x2c: {  	s31 =	rddreg [dreg:$0x6]  }
0x2d: {  	[tilespmem:s30], [sflag:$0x3] =	stream.linear.gather [hbm4b:s31+s29], $0x2760, $0x38;
	[tilespmem:$0x1E8C0] =	vst v63  }
0x2e: {  	_ =	swait.ge [sflag:s6], $0x1400  }
0x2f: {  	[sflag:s6] =	ssyncset.done $0x0  }
0x30: {  	[sflag:s6] =	ssyncadd.s32 $0xFFFFEC00  }
0x31: {  	_ =	swait.ge [sflag:s6], $0x2760  }
0x32: {  	[sflag:s6] =	ssyncset.done $0x0  }
0x33: {  	[sflag:s6] =	ssyncadd.s32 $0xFFFFD8A0  }
0x34: {  	_ =	swait.ge [sflag:s6], $0x2760  }
0x35: {  	[sflag:s6] =	ssyncset.done $0x0  }
0x36: {  	[sflag:s6] =	ssyncadd.s32 $0xFFFFD8A0  }
0x37: {  	[bflag:$0x0] =	sbarrier.arrive $0xFFFF  }
0x38: {  	[tilespmem:s11], [sflag:$0x3] =	stream.indirect.gather [hbm4b:s4+s7], $0x40, s29, s7, $0xb8;
	[tilespmem:$0x1E8C0] =	vst v63  }
0x39: {  	_ =	swait.ge [sflag:s6], $0x7D00  }
0x3a: {  	[sflag:s6] =	ssyncset.done $0x0  }
0x3b: {  	[sflag:s6] =	ssyncadd.s32 $0xFFFF8300  }
0x3c: {  	[spmem:s2] =	stream.indirect.scatter.add.f32 [tilespmem:s11], [sflag:$0x1], $0x40, s30, s7, $0xb8;
	[tilespmem:$0x1E8C0] =	vst v63  }
0x3d: {  	s0 =	rddreg [dreg:$0x8]  }
0x3e: {  	[tilespmem:s8], [sflag:$0x3] =	stream.indirect.gather [hbm4b:s4+s7], $0x40, s0, s7, $0xb8;
	[tilespmem:$0x1E8C0] =	vst v63  }
0x3f: {  	_ =	swait.ge [sflag:s6], $0x7D00  }
0x40: {  	[sflag:s6] =	ssyncset.done $0x0  }
0x41: {  	s0 =	rddreg [dreg:$0x9];
	[sflag:s6] =	ssyncadd.s32 $0xFFFF8300  }
0x42: {  	[spmem:s2] =	stream.indirect.scatter.add.f32 [tilespmem:s8], [sflag:$0x2], $0x40, s0, s7, $0xb8;
	[tilespmem:$0x1E8C0] =	vst v63  }
0x43: {  	_ =	swait.ge [sflag:s9], $0x7D00  }
0x44: {  	[sflag:s9] =	ssyncset.done $0x0  }
0x45: {  	s0 =	rddreg [dreg:$0xa];
	[sflag:s9] =	ssyncadd.s32 $0xFFFF8300  }
0x46: {  	[tilespmem:s11], [sflag:$0x3] =	stream.indirect.gather [hbm4b:s4+s7], $0x40, s0, s7, $0xb8;
	[tilespmem:$0x1E8C0] =	vst v63  }
0x47: {  	_ =	swait.ge [sflag:s6], $0x7D00  }
0x48: {  	[sflag:s6] =	ssyncset.done $0x0  }
0x49: {  	s0 =	rddreg [dreg:$0xb];
	[sflag:s6] =	ssyncadd.s32 $0xFFFF8300  }
0x4a: {  	[spmem:s2] =	stream.indirect.scatter.add.f32 [tilespmem:s11], [sflag:$0x1], $0x40, s0, s7, $0xb8;
	[tilespmem:$0x1E8C0] =	vst v63  }
0x4b: {  	_ =	swait.ge [sflag:s10], $0x7D00  }
0x4c: {  	[sflag:s10] =	ssyncset.done $0x0  }
0x4d: {  	s0 =	rddreg [dreg:$0xc];
	[sflag:s10] =	ssyncadd.s32 $0xFFFF8300  }
0x4e: {  	[tilespmem:s8], [sflag:$0x3] =	stream.indirect.gather [hbm4b:s4+s7], $0x40, s0, s7, $0xb8;
	[tilespmem:$0x1E8C0] =	vst v63  }
0x4f: {  	_ =	swait.ge [sflag:s6], $0x7D00  }
0x50: {  	[sflag:s6] =	ssyncset.done $0x0  }
0x51: {  	s0 =	rddreg [dreg:$0xd];
	[sflag:s6] =	ssyncadd.s32 $0xFFFF8300  }
0x52: {  	[spmem:s2] =	stream.indirect.scatter.add.f32 [tilespmem:s8], [sflag:$0x2], $0x40, s0, s7, $0xb8;
	[tilespmem:$0x1E8C0] =	vst v63  }
0x53: {  	_ =	swait.ge [sflag:s9], $0x7D00  }
0x54: {  	[sflag:s9] =	ssyncset.done $0x0  }
0x55: {  	s0 =	rddreg [dreg:$0xe];
	[sflag:s9] =	ssyncadd.s32 $0xFFFF8300  }
0x56: {  	[tilespmem:s11], [sflag:$0x3] =	stream.indirect.gather [hbm4b:s4+s7], $0x40, s0, s7, $0xb8;
	[tilespmem:$0x1E8C0] =	vst v63  }
0x57: {  	_ =	swait.ge [sflag:s6], $0x7D00  }
0x58: {  	[sflag:s6] =	ssyncset.done $0x0  }
0x59: {  	s0 =	rddreg [dreg:$0xf];
	[sflag:s6] =	ssyncadd.s32 $0xFFFF8300  }
0x5a: {  	[spmem:s2] =	stream.indirect.scatter.add.f32 [tilespmem:s11], [sflag:$0x1], $0x40, s0, s7, $0xb8;
	[tilespmem:$0x1E8C0] =	vst v63  }
0x5b: {  	_ =	swait.ge [sflag:s10], $0x7D00  }
0x5c: {  	[sflag:s10] =	ssyncset.done $0x0  }
0x5d: {  	s0 =	rddreg [dreg:$0x10];
	[sflag:s10] =	ssyncadd.s32 $0xFFFF8300  }
0x5e: {  	[tilespmem:s8], [sflag:$0x3] =	stream.indirect.gather [hbm4b:s4+s7], $0x40, s0, s7, $0xb8;
	[tilespmem:$0x1E8C0] =	vst v63  }
0x5f: {  	_ =	swait.ge [sflag:s6], $0x7D00  }
0x60: {  	[sflag:s6] =	ssyncset.done $0x0  }
0x61: {  	s0 =	rddreg [dreg:$0x11];
	[sflag:s6] =	ssyncadd.s32 $0xFFFF8300  }
0x62: {  	[spmem:s2] =	stream.indirect.scatter.add.f32 [tilespmem:s8], [sflag:$0x2], $0x40, s0, s7, $0xb8;
	[tilespmem:$0x1E8C0] =	vst v63  }
0x63: {  	_ =	swait.ge [sflag:s9], $0x7D00  }
0x64: {  	[sflag:s9] =	ssyncset.done $0x0  }
0x65: {  	s0 =	rddreg [dreg:$0x12];
	[sflag:s9] =	ssyncadd.s32 $0xFFFF8300  }
0x66: {  	[tilespmem:s11], [sflag:$0x3] =	stream.indirect.gather [hbm4b:s4+s7], $0x40, s0, s7, $0xb8;
	[tilespmem:$0x1E8C0] =	vst v63  }
0x67: {  	_ =	swait.ge [sflag:s6], $0x7D00  }
0x68: {  	[sflag:s6] =	ssyncset.done $0x0  }
0x69: {  	s0 =	rddreg [dreg:$0x13];
	[sflag:s6] =	ssyncadd.s32 $0xFFFF8300  }
0x6a: {  	[spmem:s2] =	stream.indirect.scatter.add.f32 [tilespmem:s11], [sflag:$0x1], $0x40, s0, s7, $0xb8;
	[tilespmem:$0x1E8C0] =	vst v63  }
0x6b: {  	_ =	swait.ge [sflag:s10], $0x7D00  }
0x6c: {  	[sflag:s10] =	ssyncset.done $0x0  }
0x6d: {  	s0 =	rddreg [dreg:$0x14];
	[sflag:s10] =	ssyncadd.s32 $0xFFFF8300  }
0x6e: {  	[tilespmem:s8], [sflag:$0x3] =	stream.indirect.gather [hbm4b:s4+s7], $0x40, s0, s7, $0xb8;
	[tilespmem:$0x1E8C0] =	vst v63  }
0x6f: {  	_ =	swait.ge [sflag:s6], $0x7D00  }
0x70: {  	[sflag:s6] =	ssyncset.done $0x0  }
0x71: {  	s0 =	rddreg [dreg:$0x15];
	[sflag:s6] =	ssyncadd.s32 $0xFFFF8300  }
0x72: {  	[spmem:s2] =	stream.indirect.scatter.add.f32 [tilespmem:s8], [sflag:$0x2], $0x40, s0, s7, $0xb8;
	[tilespmem:$0x1E8C0] =	vst v63  }
0x73: {  	_ =	swait.ge [sflag:s9], $0x7D00  }
0x74: {  	[sflag:s9] =	ssyncset.done $0x0  }
0x75: {  	s0 =	rddreg [dreg:$0x16];
	[sflag:s9] =	ssyncadd.s32 $0xFFFF8300  }
0x76: {  	[tilespmem:s11], [sflag:$0x3] =	stream.indirect.gather [hbm4b:s4+s7], $0x40, s0, s7, $0xb8;
	[tilespmem:$0x1E8C0] =	vst v63  }
0x77: {  	_ =	swait.ge [sflag:s6], $0x7D00  }
0x78: {  	[sflag:s6] =	ssyncset.done $0x0  }
0x79: {  	s0 =	rddreg [dreg:$0x17];
	[sflag:s6] =	ssyncadd.s32 $0xFFFF8300  }
0x7a: {  	[spmem:s2] =	stream.indirect.scatter.add.f32 [tilespmem:s11], [sflag:$0x1], $0x40, s0, s7, $0xb8;
	[tilespmem:$0x1E8C0] =	vst v63  }
0x7b: {  	_ =	swait.ge [sflag:s10], $0x7D00  }
0x7c: {  	[sflag:s10] =	ssyncset.done $0x0  }
0x7d: {  	s0 =	rddreg [dreg:$0x18];
	[sflag:s10] =	ssyncadd.s32 $0xFFFF8300  }
0x7e: {  	[tilespmem:s8], [sflag:$0x3] =	stream.indirect.gather [hbm4b:s4+s7], $0x40, s0, s7, $0xb8;
	[tilespmem:$0x1E8C0] =	vst v63  }
0x7f: {  	_ =	swait.ge [sflag:s6], $0x7D00  }
0x80: {  	[sflag:s6] =	ssyncset.done $0x0  }
0x81: {  	s0 =	rddreg [dreg:$0x19];
	[sflag:s6] =	ssyncadd.s32 $0xFFFF8300  }
0x82: {  	[spmem:s2] =	stream.indirect.scatter.add.f32 [tilespmem:s8], [sflag:$0x2], $0x40, s0, s7, $0xb8;
	[tilespmem:$0x1E8C0] =	vst v63  }
0x83: {  	_ =	swait.ge [sflag:s9], $0x7D00  }
0x84: {  	[sflag:s9] =	ssyncset.done $0x0  }
0x85: {  	s0 =	rddreg [dreg:$0x1a];
	[sflag:s9] =	ssyncadd.s32 $0xFFFF8300  }
0x86: {  	[tilespmem:s11], [sflag:$0x3] =	stream.indirect.gather [hbm4b:s4+s7], $0x40, s0, s7, $0xb8;
	[tilespmem:$0x1E8C0] =	vst v63  }
0x87: {  	_ =	swait.ge [sflag:s6], $0x7D00  }
0x88: {  	[sflag:s6] =	ssyncset.done $0x0  }
0x89: {  	s0 =	rddreg [dreg:$0x1b];
	[sflag:s6] =	ssyncadd.s32 $0xFFFF8300  }
0x8a: {  	[spmem:s2] =	stream.indirect.scatter.add.f32 [tilespmem:s11], [sflag:$0x1], $0x40, s0, s7, $0xb8;
	[tilespmem:$0x1E8C0] =	vst v63  }
0x8b: {  	_ =	swait.ge [sflag:s10], $0x7D00  }
0x8c: {  	[sflag:s10] =	ssyncset.done $0x0  }
0x8d: {  	s0 =	rddreg [dreg:$0x1c];
	[sflag:s10] =	ssyncadd.s32 $0xFFFF8300  }
0x8e: {  	[tilespmem:s8], [sflag:$0x3] =	stream.indirect.gather [hbm4b:s4+s7], $0x40, s0, s7, $0xb8;
	[tilespmem:$0x1E8C0] =	vst v63  }
0x8f: {  	_ =	swait.ge [sflag:s6], $0x7D00  }
0x90: {  	[sflag:s6] =	ssyncset.done $0x0  }
0x91: {  	s0 =	rddreg [dreg:$0x1d];
	[sflag:s6] =	ssyncadd.s32 $0xFFFF8300  }
0x92: {  	[spmem:s2] =	stream.indirect.scatter.add.f32 [tilespmem:s8], [sflag:$0x2], $0x40, s0, s7, $0xb8;
	[tilespmem:$0x1E8C0] =	vst v63  }
0x93: {  	_ =	swait.ge [sflag:s9], $0x7D00  }
0x94: {  	[sflag:s9] =	ssyncset.done $0x0  }
0x95: {  	s0 =	rddreg [dreg:$0x1e];
	[sflag:s9] =	ssyncadd.s32 $0xFFFF8300  }
0x96: {  	[tilespmem:s11], [sflag:$0x3] =	stream.indirect.gather [hbm4b:s4+s7], $0x40, s0, s7, $0xb8;
	[tilespmem:$0x1E8C0] =	vst v63  }
0x97: {  	_ =	swait.ge [sflag:s6], $0x7D00  }
0x98: {  	[sflag:s6] =	ssyncset.done $0x0  }
0x99: {  	[sflag:s6] =	ssyncadd.s32 $0xFFFF8300  }
0x9a: {  	[spmem:s2] =	stream.indirect.scatter.add.f32 [tilespmem:s11], [sflag:$0x1], $0x40, s28, s7, $0xb8;
	[tilespmem:$0x1E8C0] =	vst v63  }
0x9b: {  	_ =	swait.ge [sflag:s10], $0x7D00  }
0x9c: {  	[sflag:s10] =	ssyncset.done $0x0  }
0x9d: {  	[sflag:s10] =	ssyncadd.s32 $0xFFFF8300  }
0x9e: {  	[tilespmem:s8], [sflag:$0x3] =	stream.indirect.gather [hbm4b:s4+s7], $0x40, s26, s7, $0xb8;
	[tilespmem:$0x1E8C0] =	vst v63  }
0x9f: {  	_ =	swait.ge [sflag:s6], $0x7D00  }
0xa0: {  	[sflag:s6] =	ssyncset.done $0x0  }
0xa1: {  	[sflag:s6] =	ssyncadd.s32 $0xFFFF8300  }
0xa2: {  	[spmem:s2] =	stream.indirect.scatter.add.f32 [tilespmem:s8], [sflag:$0x2], $0x40, s25, s7, $0xb8;
	[tilespmem:$0x1E8C0] =	vst v63  }
0xa3: {  	_ =	swait.ge [sflag:s9], $0x7D00  }
0xa4: {  	[sflag:s9] =	ssyncset.done $0x0  }
0xa5: {  	[sflag:s9] =	ssyncadd.s32 $0xFFFF8300  }
0xa6: {  	[tilespmem:s11], [sflag:$0x3] =	stream.indirect.gather [hbm4b:s4+s7], $0x40, s24, s7, $0xb8;
	[tilespmem:$0x1E8C0] =	vst v63  }
0xa7: {  	_ =	swait.ge [sflag:s6], $0x7D00  }
0xa8: {  	[sflag:s6] =	ssyncset.done $0x0  }
0xa9: {  	[sflag:s6] =	ssyncadd.s32 $0xFFFF8300  }
0xaa: {  	[spmem:s2] =	stream.indirect.scatter.add.f32 [tilespmem:s11], [sflag:$0x1], $0x40, s23, s7, $0xb8;
	[tilespmem:$0x1E8C0] =	vst v63  }
0xab: {  	_ =	swait.ge [sflag:s10], $0x7D00  }
0xac: {  	[sflag:s10] =	ssyncset.done $0x0  }
0xad: {  	[sflag:s10] =	ssyncadd.s32 $0xFFFF8300  }
0xae: {  	[tilespmem:s8], [sflag:$0x3] =	stream.indirect.gather [hbm4b:s4+s7], $0x40, s22, s7, $0xb8;
	[tilespmem:$0x1E8C0] =	vst v63  }
0xaf: {  	_ =	swait.ge [sflag:s6], $0x7D00  }
0xb0: {  	[sflag:s6] =	ssyncset.done $0x0  }
0xb1: {  	[sflag:s6] =	ssyncadd.s32 $0xFFFF8300  }
0xb2: {  	[spmem:s2] =	stream.indirect.scatter.add.f32 [tilespmem:s8], [sflag:$0x2], $0x40, s21, s7, $0xb8;
	[tilespmem:$0x1E8C0] =	vst v63  }
0xb3: {  	_ =	swait.ge [sflag:s9], $0x7D00  }
0xb4: {  	[sflag:s9] =	ssyncset.done $0x0  }
0xb5: {  	[sflag:s9] =	ssyncadd.s32 $0xFFFF8300  }
0xb6: {  	[tilespmem:s11], [sflag:$0x3] =	stream.indirect.gather [hbm4b:s4+s7], $0x40, s20, s7, $0xb8;
	[tilespmem:$0x1E8C0] =	vst v63  }
0xb7: {  	_ =	swait.ge [sflag:s6], $0x7D00  }
0xb8: {  	[sflag:s6] =	ssyncset.done $0x0  }
0xb9: {  	[sflag:s6] =	ssyncadd.s32 $0xFFFF8300  }
0xba: {  	[spmem:s2] =	stream.indirect.scatter.add.f32 [tilespmem:s11], [sflag:$0x1], $0x40, s19, s7, $0xb8;
	[tilespmem:$0x1E8C0] =	vst v63  }
0xbb: {  	_ =	swait.ge [sflag:s10], $0x7D00  }
0xbc: {  	[sflag:s10] =	ssyncset.done $0x0  }
0xbd: {  	[sflag:s10] =	ssyncadd.s32 $0xFFFF8300  }
0xbe: {  	[tilespmem:s8], [sflag:$0x3] =	stream.indirect.gather [hbm4b:s4+s7], $0x40, s18, s7, $0xb8;
	[tilespmem:$0x1E8C0] =	vst v63  }
0xbf: {  	_ =	swait.ge [sflag:s6], $0x7D00  }
0xc0: {  	[sflag:s6] =	ssyncset.done $0x0  }
0xc1: {  	[sflag:s6] =	ssyncadd.s32 $0xFFFF8300  }
0xc2: {  	[spmem:s2] =	stream.indirect.scatter.add.f32 [tilespmem:s8], [sflag:$0x2], $0x40, s16, s7, $0xb8;
	[tilespmem:$0x1E8C0] =	vst v63  }
0xc3: {  	_ =	swait.ge [sflag:s9], $0x7D00  }
0xc4: {  	[sflag:s9] =	ssyncset.done $0x0  }
0xc5: {  	[sflag:s9] =	ssyncadd.s32 $0xFFFF8300  }
0xc6: {  	[tilespmem:s11], [sflag:$0x3] =	stream.indirect.gather [hbm4b:s4+s7], $0x40, s17, s7, $0xb8;
	[tilespmem:$0x1E8C0] =	vst v63  }
0xc7: {  	_ =	swait.ge [sflag:s6], $0x7D00  }
0xc8: {  	[sflag:s6] =	ssyncset.done $0x0  }
0xc9: {  	[sflag:s6] =	ssyncadd.s32 $0xFFFF8300  }
0xca: {  	[spmem:s2] =	stream.indirect.scatter.add.f32 [tilespmem:s11], [sflag:$0x1], $0x40, s15, s7, $0xb8;
	[tilespmem:$0x1E8C0] =	vst v63  }
0xcb: {  	_ =	swait.ge [sflag:s10], $0x7D00  }
0xcc: {  	[sflag:s10] =	ssyncset.done $0x0  }
0xcd: {  	[sflag:s10] =	ssyncadd.s32 $0xFFFF8300  }
0xce: {  	[tilespmem:s8], [sflag:$0x3] =	stream.indirect.gather [hbm4b:s4+s7], $0x40, s14, s7, $0xb8;
	[tilespmem:$0x1E8C0] =	vst v63  }
0xcf: {  	_ =	swait.ge [sflag:s6], $0x7D00  }
0xd0: {  	[sflag:s6] =	ssyncset.done $0x0  }
0xd1: {  	[sflag:s6] =	ssyncadd.s32 $0xFFFF8300  }
0xd2: {  	[spmem:s2] =	stream.indirect.scatter.add.f32 [tilespmem:s8], [sflag:$0x2], $0x40, s13, s7, $0xb8;
	[tilespmem:$0x1E8C0] =	vst v63  }
0xd3: {  	_ =	swait.ge [sflag:s9], $0x7D00  }
0xd4: {  	[sflag:s9] =	ssyncset.done $0x0  }
0xd5: {  	[sflag:s9] =	ssyncadd.s32 $0xFFFF8300  }
0xd6: {  	_ =	swait.ge [sflag:s10], $0x7D00  }
0xd7: {  	[sflag:s10] =	ssyncset.done $0x0  }
0xd8: {  	[sflag:s10] =	ssyncadd.s32 $0xFFFF8300  }
0xd9: {  	p1 =	sne.s32 s1, $0x1;
	[bflag:$0x0] =	sbarrier.arrive $0xFFFF  }
.Ltmp1:
0xda: {  	s0 =	rddreg [dreg:$0x7];
	(pc) =	sbr.rel @!p1 .LBB2_2-.Ltmp1, $4  }
0xdb: {  	s31 =	sor.u32 $0x1C04, s3;
	[dreg:$0x1f] =	wrdreg s3  }
0xdc: {  	[hbm:s0], [sflag:s31] =	dma.local [spmem:s5], $0x1400  }
0xdd: {  	s1 =	sadd.s32 $0xFFFFFFFF, s1;
	_ =	swait.ge [sflag:s12], $0x1400  }
0xde: {  	p0 =	por $0x1, $0x1;
	s0 =	rddreg [dreg:$0x3];
	[sflag:s12] =	ssyncset.done $0x0  }
.LBB2_3:
0xdf: {  	s3 =	rddreg [dreg:$0x4];
	[sflag:s12] =	ssyncadd.s32 $0xFFFFEC00  }
0xe0: {  	[spmem:s5], [sflag:s3] =	dma.local [hbm:s0], $0x1400  }
0xe1: {  	s0 =	rddreg [dreg:$0x5]  }
0xe2: {  	[tilespmem:s29], [sflag:$0x3] =	stream.linear.gather [hbm4b:s0+s29], $0x2760, $0x38;
	[tilespmem:$0x1E8C0] =	vst v63  }
0xe3: {  	s3 =	rddreg [dreg:$0x6]  }
0xe4: {  	[tilespmem:s30], [sflag:$0x3] =	stream.linear.gather [hbm4b:s3+s29], $0x2760, $0x38;
	[tilespmem:$0x1E8C0] =	vst v63  }
0xe5: {  	_ =	swait.ge [sflag:s6], $0x1400  }
0xe6: {  	[sflag:s6] =	ssyncset.done $0x0  }
0xe7: {  	[sflag:s6] =	ssyncadd.s32 $0xFFFFEC00  }
0xe8: {  	_ =	swait.ge [sflag:s6], $0x2760  }
0xe9: {  	[sflag:s6] =	ssyncset.done $0x0  }
0xea: {  	[sflag:s6] =	ssyncadd.s32 $0xFFFFD8A0  }
0xeb: {  	_ =	swait.ge [sflag:s6], $0x2760  }
0xec: {  	[sflag:s6] =	ssyncset.done $0x0  }
0xed: {  	[sflag:s6] =	ssyncadd.s32 $0xFFFFD8A0  }
0xee: {  	[bflag:$0x0] =	sbarrier.arrive $0xFFFF  }
0xef: {  	[tilespmem:s11], [sflag:$0x3] =	stream.indirect.gather [hbm4b:s4+s7], $0x40, s29, s7, $0xb8;
	[tilespmem:$0x1E8C0] =	vst v63  }
0xf0: {  	_ =	swait.ge [sflag:s6], $0x7D00  }
0xf1: {  	[sflag:s6] =	ssyncset.done $0x0  }
0xf2: {  	[sflag:s6] =	ssyncadd.s32 $0xFFFF8300  }
0xf3: {  	[spmem:s2] =	stream.indirect.scatter.add.f32 [tilespmem:s11], [sflag:$0x1], $0x40, s30, s7, $0xb8;
	[tilespmem:$0x1E8C0] =	vst v63  }
0xf4: {  	s3 =	rddreg [dreg:$0x8]  }
0xf5: {  	[tilespmem:s8], [sflag:$0x3] =	stream.indirect.gather [hbm4b:s4+s7], $0x40, s3, s7, $0xb8;
	[tilespmem:$0x1E8C0] =	vst v63  }
0xf6: {  	_ =	swait.ge [sflag:s6], $0x7D00  }
0xf7: {  	[sflag:s6] =	ssyncset.done $0x0  }
0xf8: {  	s3 =	rddreg [dreg:$0x9];
	[sflag:s6] =	ssyncadd.s32 $0xFFFF8300  }
0xf9: {  	[spmem:s2] =	stream.indirect.scatter.add.f32 [tilespmem:s8], [sflag:$0x2], $0x40, s3, s7, $0xb8;
	[tilespmem:$0x1E8C0] =	vst v63  }
0xfa: {  	_ =	swait.ge [sflag:s9], $0x7D00  }
0xfb: {  	[sflag:s9] =	ssyncset.done $0x0  }
0xfc: {  	s3 =	rddreg [dreg:$0xa];
	[sflag:s9] =	ssyncadd.s32 $0xFFFF8300  }
0xfd: {  	[tilespmem:s11], [sflag:$0x3] =	stream.indirect.gather [hbm4b:s4+s7], $0x40, s3, s7, $0xb8;
	[tilespmem:$0x1E8C0] =	vst v63  }
0xfe: {  	_ =	swait.ge [sflag:s6], $0x7D00  }
0xff: {  	[sflag:s6] =	ssyncset.done $0x0  }
0x100: {  	s3 =	rddreg [dreg:$0xb];
	[sflag:s6] =	ssyncadd.s32 $0xFFFF8300  }
0x101: {  	[spmem:s2] =	stream.indirect.scatter.add.f32 [tilespmem:s11], [sflag:$0x1], $0x40, s3, s7, $0xb8;
	[tilespmem:$0x1E8C0] =	vst v63  }
0x102: {  	_ =	swait.ge [sflag:s10], $0x7D00  }
0x103: {  	[sflag:s10] =	ssyncset.done $0x0  }
0x104: {  	s3 =	rddreg [dreg:$0xc];
	[sflag:s10] =	ssyncadd.s32 $0xFFFF8300  }
0x105: {  	[tilespmem:s8], [sflag:$0x3] =	stream.indirect.gather [hbm4b:s4+s7], $0x40, s3, s7, $0xb8;
	[tilespmem:$0x1E8C0] =	vst v63  }
0x106: {  	_ =	swait.ge [sflag:s6], $0x7D00  }
0x107: {  	[sflag:s6] =	ssyncset.done $0x0  }
0x108: {  	s3 =	rddreg [dreg:$0xd];
	[sflag:s6] =	ssyncadd.s32 $0xFFFF8300  }
0x109: {  	[spmem:s2] =	stream.indirect.scatter.add.f32 [tilespmem:s8], [sflag:$0x2], $0x40, s3, s7, $0xb8;
	[tilespmem:$0x1E8C0] =	vst v63  }
0x10a: {  	_ =	swait.ge [sflag:s9], $0x7D00  }
0x10b: {  	[sflag:s9] =	ssyncset.done $0x0  }
0x10c: {  	s3 =	rddreg [dreg:$0xe];
	[sflag:s9] =	ssyncadd.s32 $0xFFFF8300  }
0x10d: {  	[tilespmem:s11], [sflag:$0x3] =	stream.indirect.gather [hbm4b:s4+s7], $0x40, s3, s7, $0xb8;
	[tilespmem:$0x1E8C0] =	vst v63  }
0x10e: {  	_ =	swait.ge [sflag:s6], $0x7D00  }
0x10f: {  	[sflag:s6] =	ssyncset.done $0x0  }
0x110: {  	s3 =	rddreg [dreg:$0xf];
	[sflag:s6] =	ssyncadd.s32 $0xFFFF8300  }
0x111: {  	[spmem:s2] =	stream.indirect.scatter.add.f32 [tilespmem:s11], [sflag:$0x1], $0x40, s3, s7, $0xb8;
	[tilespmem:$0x1E8C0] =	vst v63  }
0x112: {  	_ =	swait.ge [sflag:s10], $0x7D00  }
0x113: {  	[sflag:s10] =	ssyncset.done $0x0  }
0x114: {  	s3 =	rddreg [dreg:$0x10];
	[sflag:s10] =	ssyncadd.s32 $0xFFFF8300  }
0x115: {  	[tilespmem:s8], [sflag:$0x3] =	stream.indirect.gather [hbm4b:s4+s7], $0x40, s3, s7, $0xb8;
	[tilespmem:$0x1E8C0] =	vst v63  }
0x116: {  	_ =	swait.ge [sflag:s6], $0x7D00  }
0x117: {  	[sflag:s6] =	ssyncset.done $0x0  }
0x118: {  	s3 =	rddreg [dreg:$0x11];
	[sflag:s6] =	ssyncadd.s32 $0xFFFF8300  }
0x119: {  	[spmem:s2] =	stream.indirect.scatter.add.f32 [tilespmem:s8], [sflag:$0x2], $0x40, s3, s7, $0xb8;
	[tilespmem:$0x1E8C0] =	vst v63  }
0x11a: {  	_ =	swait.ge [sflag:s9], $0x7D00  }
0x11b: {  	[sflag:s9] =	ssyncset.done $0x0  }
0x11c: {  	s3 =	rddreg [dreg:$0x12];
	[sflag:s9] =	ssyncadd.s32 $0xFFFF8300  }
0x11d: {  	[tilespmem:s11], [sflag:$0x3] =	stream.indirect.gather [hbm4b:s4+s7], $0x40, s3, s7, $0xb8;
	[tilespmem:$0x1E8C0] =	vst v63  }
0x11e: {  	_ =	swait.ge [sflag:s6], $0x7D00  }
0x11f: {  	[sflag:s6] =	ssyncset.done $0x0  }
0x120: {  	s3 =	rddreg [dreg:$0x13];
	[sflag:s6] =	ssyncadd.s32 $0xFFFF8300  }
0x121: {  	[spmem:s2] =	stream.indirect.scatter.add.f32 [tilespmem:s11], [sflag:$0x1], $0x40, s3, s7, $0xb8;
	[tilespmem:$0x1E8C0] =	vst v63  }
0x122: {  	_ =	swait.ge [sflag:s10], $0x7D00  }
0x123: {  	[sflag:s10] =	ssyncset.done $0x0  }
0x124: {  	s3 =	rddreg [dreg:$0x14];
	[sflag:s10] =	ssyncadd.s32 $0xFFFF8300  }
0x125: {  	[tilespmem:s8], [sflag:$0x3] =	stream.indirect.gather [hbm4b:s4+s7], $0x40, s3, s7, $0xb8;
	[tilespmem:$0x1E8C0] =	vst v63  }
0x126: {  	_ =	swait.ge [sflag:s6], $0x7D00  }
0x127: {  	[sflag:s6] =	ssyncset.done $0x0  }
0x128: {  	s3 =	rddreg [dreg:$0x15];
	[sflag:s6] =	ssyncadd.s32 $0xFFFF8300  }
0x129: {  	[spmem:s2] =	stream.indirect.scatter.add.f32 [tilespmem:s8], [sflag:$0x2], $0x40, s3, s7, $0xb8;
	[tilespmem:$0x1E8C0] =	vst v63  }
0x12a: {  	_ =	swait.ge [sflag:s9], $0x7D00  }
0x12b: {  	[sflag:s9] =	ssyncset.done $0x0  }
0x12c: {  	s3 =	rddreg [dreg:$0x16];
	[sflag:s9] =	ssyncadd.s32 $0xFFFF8300  }
0x12d: {  	[tilespmem:s11], [sflag:$0x3] =	stream.indirect.gather [hbm4b:s4+s7], $0x40, s3, s7, $0xb8;
	[tilespmem:$0x1E8C0] =	vst v63  }
0x12e: {  	_ =	swait.ge [sflag:s6], $0x7D00  }
0x12f: {  	[sflag:s6] =	ssyncset.done $0x0  }
0x130: {  	s3 =	rddreg [dreg:$0x17];
	[sflag:s6] =	ssyncadd.s32 $0xFFFF8300  }
0x131: {  	[spmem:s2] =	stream.indirect.scatter.add.f32 [tilespmem:s11], [sflag:$0x1], $0x40, s3, s7, $0xb8;
	[tilespmem:$0x1E8C0] =	vst v63  }
0x132: {  	_ =	swait.ge [sflag:s10], $0x7D00  }
0x133: {  	[sflag:s10] =	ssyncset.done $0x0  }
0x134: {  	s3 =	rddreg [dreg:$0x18];
	[sflag:s10] =	ssyncadd.s32 $0xFFFF8300  }
0x135: {  	[tilespmem:s8], [sflag:$0x3] =	stream.indirect.gather [hbm4b:s4+s7], $0x40, s3, s7, $0xb8;
	[tilespmem:$0x1E8C0] =	vst v63  }
0x136: {  	_ =	swait.ge [sflag:s6], $0x7D00  }
0x137: {  	[sflag:s6] =	ssyncset.done $0x0  }
0x138: {  	s3 =	rddreg [dreg:$0x19];
	[sflag:s6] =	ssyncadd.s32 $0xFFFF8300  }
0x139: {  	[spmem:s2] =	stream.indirect.scatter.add.f32 [tilespmem:s8], [sflag:$0x2], $0x40, s3, s7, $0xb8;
	[tilespmem:$0x1E8C0] =	vst v63  }
0x13a: {  	_ =	swait.ge [sflag:s9], $0x7D00  }
0x13b: {  	[sflag:s9] =	ssyncset.done $0x0  }
0x13c: {  	s3 =	rddreg [dreg:$0x1a];
	[sflag:s9] =	ssyncadd.s32 $0xFFFF8300  }
0x13d: {  	[tilespmem:s11], [sflag:$0x3] =	stream.indirect.gather [hbm4b:s4+s7], $0x40, s3, s7, $0xb8;
	[tilespmem:$0x1E8C0] =	vst v63  }
0x13e: {  	_ =	swait.ge [sflag:s6], $0x7D00  }
0x13f: {  	[sflag:s6] =	ssyncset.done $0x0  }
0x140: {  	s3 =	rddreg [dreg:$0x1b];
	[sflag:s6] =	ssyncadd.s32 $0xFFFF8300  }
0x141: {  	[spmem:s2] =	stream.indirect.scatter.add.f32 [tilespmem:s11], [sflag:$0x1], $0x40, s3, s7, $0xb8;
	[tilespmem:$0x1E8C0] =	vst v63  }
0x142: {  	_ =	swait.ge [sflag:s10], $0x7D00  }
0x143: {  	[sflag:s10] =	ssyncset.done $0x0  }
0x144: {  	s3 =	rddreg [dreg:$0x1c];
	[sflag:s10] =	ssyncadd.s32 $0xFFFF8300  }
0x145: {  	[tilespmem:s8], [sflag:$0x3] =	stream.indirect.gather [hbm4b:s4+s7], $0x40, s3, s7, $0xb8;
	[tilespmem:$0x1E8C0] =	vst v63  }
0x146: {  	_ =	swait.ge [sflag:s6], $0x7D00  }
0x147: {  	[sflag:s6] =	ssyncset.done $0x0  }
0x148: {  	s3 =	rddreg [dreg:$0x1d];
	[sflag:s6] =	ssyncadd.s32 $0xFFFF8300  }
0x149: {  	[spmem:s2] =	stream.indirect.scatter.add.f32 [tilespmem:s8], [sflag:$0x2], $0x40, s3, s7, $0xb8;
	[tilespmem:$0x1E8C0] =	vst v63  }
0x14a: {  	_ =	swait.ge [sflag:s9], $0x7D00  }
0x14b: {  	[sflag:s9] =	ssyncset.done $0x0  }
0x14c: {  	s3 =	rddreg [dreg:$0x1e];
	[sflag:s9] =	ssyncadd.s32 $0xFFFF8300  }
0x14d: {  	[tilespmem:s11], [sflag:$0x3] =	stream.indirect.gather [hbm4b:s4+s7], $0x40, s3, s7, $0xb8;
	[tilespmem:$0x1E8C0] =	vst v63  }
0x14e: {  	_ =	swait.ge [sflag:s6], $0x7D00  }
0x14f: {  	[sflag:s6] =	ssyncset.done $0x0  }
0x150: {  	[sflag:s6] =	ssyncadd.s32 $0xFFFF8300  }
0x151: {  	[spmem:s2] =	stream.indirect.scatter.add.f32 [tilespmem:s11], [sflag:$0x1], $0x40, s28, s7, $0xb8;
	[tilespmem:$0x1E8C0] =	vst v63  }
0x152: {  	_ =	swait.ge [sflag:s10], $0x7D00  }
0x153: {  	[sflag:s10] =	ssyncset.done $0x0  }
0x154: {  	[sflag:s10] =	ssyncadd.s32 $0xFFFF8300  }
0x155: {  	[tilespmem:s8], [sflag:$0x3] =	stream.indirect.gather [hbm4b:s4+s7], $0x40, s26, s7, $0xb8;
	[tilespmem:$0x1E8C0] =	vst v63  }
0x156: {  	_ =	swait.ge [sflag:s6], $0x7D00  }
0x157: {  	[sflag:s6] =	ssyncset.done $0x0  }
0x158: {  	[sflag:s6] =	ssyncadd.s32 $0xFFFF8300  }
0x159: {  	[spmem:s2] =	stream.indirect.scatter.add.f32 [tilespmem:s8], [sflag:$0x2], $0x40, s25, s7, $0xb8;
	[tilespmem:$0x1E8C0] =	vst v63  }
0x15a: {  	_ =	swait.ge [sflag:s9], $0x7D00  }
0x15b: {  	[sflag:s9] =	ssyncset.done $0x0  }
0x15c: {  	[sflag:s9] =	ssyncadd.s32 $0xFFFF8300  }
0x15d: {  	[tilespmem:s11], [sflag:$0x3] =	stream.indirect.gather [hbm4b:s4+s7], $0x40, s24, s7, $0xb8;
	[tilespmem:$0x1E8C0] =	vst v63  }
0x15e: {  	_ =	swait.ge [sflag:s6], $0x7D00  }
0x15f: {  	[sflag:s6] =	ssyncset.done $0x0  }
0x160: {  	[sflag:s6] =	ssyncadd.s32 $0xFFFF8300  }
0x161: {  	[spmem:s2] =	stream.indirect.scatter.add.f32 [tilespmem:s11], [sflag:$0x1], $0x40, s23, s7, $0xb8;
	[tilespmem:$0x1E8C0] =	vst v63  }
0x162: {  	_ =	swait.ge [sflag:s10], $0x7D00  }
0x163: {  	[sflag:s10] =	ssyncset.done $0x0  }
0x164: {  	[sflag:s10] =	ssyncadd.s32 $0xFFFF8300  }
0x165: {  	[tilespmem:s8], [sflag:$0x3] =	stream.indirect.gather [hbm4b:s4+s7], $0x40, s22, s7, $0xb8;
	[tilespmem:$0x1E8C0] =	vst v63  }
0x166: {  	_ =	swait.ge [sflag:s6], $0x7D00  }
0x167: {  	[sflag:s6] =	ssyncset.done $0x0  }
0x168: {  	[sflag:s6] =	ssyncadd.s32 $0xFFFF8300  }
0x169: {  	[spmem:s2] =	stream.indirect.scatter.add.f32 [tilespmem:s8], [sflag:$0x2], $0x40, s21, s7, $0xb8;
	[tilespmem:$0x1E8C0] =	vst v63  }
0x16a: {  	_ =	swait.ge [sflag:s9], $0x7D00  }
0x16b: {  	[sflag:s9] =	ssyncset.done $0x0  }
0x16c: {  	[sflag:s9] =	ssyncadd.s32 $0xFFFF8300  }
0x16d: {  	[tilespmem:s11], [sflag:$0x3] =	stream.indirect.gather [hbm4b:s4+s7], $0x40, s20, s7, $0xb8;
	[tilespmem:$0x1E8C0] =	vst v63  }
0x16e: {  	_ =	swait.ge [sflag:s6], $0x7D00  }
0x16f: {  	[sflag:s6] =	ssyncset.done $0x0  }
0x170: {  	[sflag:s6] =	ssyncadd.s32 $0xFFFF8300  }
0x171: {  	[spmem:s2] =	stream.indirect.scatter.add.f32 [tilespmem:s11], [sflag:$0x1], $0x40, s19, s7, $0xb8;
	[tilespmem:$0x1E8C0] =	vst v63  }
0x172: {  	_ =	swait.ge [sflag:s10], $0x7D00  }
0x173: {  	[sflag:s10] =	ssyncset.done $0x0  }
0x174: {  	[sflag:s10] =	ssyncadd.s32 $0xFFFF8300  }
0x175: {  	[tilespmem:s8], [sflag:$0x3] =	stream.indirect.gather [hbm4b:s4+s7], $0x40, s18, s7, $0xb8;
	[tilespmem:$0x1E8C0] =	vst v63  }
0x176: {  	_ =	swait.ge [sflag:s6], $0x7D00  }
0x177: {  	[sflag:s6] =	ssyncset.done $0x0  }
0x178: {  	[sflag:s6] =	ssyncadd.s32 $0xFFFF8300  }
0x179: {  	[spmem:s2] =	stream.indirect.scatter.add.f32 [tilespmem:s8], [sflag:$0x2], $0x40, s16, s7, $0xb8;
	[tilespmem:$0x1E8C0] =	vst v63  }
0x17a: {  	_ =	swait.ge [sflag:s9], $0x7D00  }
0x17b: {  	[sflag:s9] =	ssyncset.done $0x0  }
0x17c: {  	[sflag:s9] =	ssyncadd.s32 $0xFFFF8300  }
0x17d: {  	[tilespmem:s11], [sflag:$0x3] =	stream.indirect.gather [hbm4b:s4+s7], $0x40, s17, s7, $0xb8;
	[tilespmem:$0x1E8C0] =	vst v63  }
0x17e: {  	_ =	swait.ge [sflag:s6], $0x7D00  }
0x17f: {  	[sflag:s6] =	ssyncset.done $0x0  }
0x180: {  	[sflag:s6] =	ssyncadd.s32 $0xFFFF8300  }
0x181: {  	[spmem:s2] =	stream.indirect.scatter.add.f32 [tilespmem:s11], [sflag:$0x1], $0x40, s15, s7, $0xb8;
	[tilespmem:$0x1E8C0] =	vst v63  }
0x182: {  	_ =	swait.ge [sflag:s10], $0x7D00  }
0x183: {  	[sflag:s10] =	ssyncset.done $0x0  }
0x184: {  	[sflag:s10] =	ssyncadd.s32 $0xFFFF8300  }
0x185: {  	[tilespmem:s8], [sflag:$0x3] =	stream.indirect.gather [hbm4b:s4+s7], $0x40, s14, s7, $0xb8;
	[tilespmem:$0x1E8C0] =	vst v63  }
0x186: {  	_ =	swait.ge [sflag:s6], $0x7D00  }
0x187: {  	[sflag:s6] =	ssyncset.done $0x0  }
0x188: {  	[sflag:s6] =	ssyncadd.s32 $0xFFFF8300  }
0x189: {  	[spmem:s2] =	stream.indirect.scatter.add.f32 [tilespmem:s8], [sflag:$0x2], $0x40, s13, s7, $0xb8;
	[tilespmem:$0x1E8C0] =	vst v63  }
0x18a: {  	_ =	swait.ge [sflag:s9], $0x7D00  }
0x18b: {  	[sflag:s9] =	ssyncset.done $0x0  }
0x18c: {  	[sflag:s9] =	ssyncadd.s32 $0xFFFF8300  }
0x18d: {  	_ =	swait.ge [sflag:s10], $0x7D00  }
0x18e: {  	[sflag:s10] =	ssyncset.done $0x0  }
0x18f: {  	p1 =	sne.s32 s1, $0x1;
	[sflag:s10] =	ssyncadd.s32 $0xFFFF8300  }
.Ltmp2:
0x190: {  	[bflag:$0x0] =	sbarrier.arrive $0xFFFF;
	(pc) =	sbr.rel @p1 .LBB2_3-.Ltmp2, $4  }
0x191: {  	s3 =	rddreg [dreg:$0x7]  }
0x192: {  	[hbm:s3], [sflag:s31] =	dma.local [spmem:s5], $0x1400  }
0x193: {  	_ =	swait.ge [sflag:s12], $0x1400  }
0x194: {  	s1 =	sadd.s32 $0xFFFFFFFF, s1;
	s0 =	rddreg [dreg:$0x3];
	[sflag:s12] =	ssyncset.done $0x0  }
0x195: {  	s31 =	stileid.u32;
	s3 =	rddreg [dreg:$0x1f]  }
.LBB2_5:
0x196: {  	s1 =	rddreg [dreg:$0x4];
	[sflag:s12] =	ssyncadd.s32 @p0 $0xFFFFEC00  }
0x197: {  	[spmem:s5], [sflag:s1] =	dma.local [hbm:s0], $0x1400  }
0x198: {  	s0 =	rddreg [dreg:$0x5]  }
0x199: {  	[tilespmem:s29], [sflag:$0x3] =	stream.linear.gather [hbm4b:s0+s29], $0x2760, $0x38;
	[tilespmem:$0x1E8C0] =	vst v63  }
0x19a: {  	s1 =	rddreg [dreg:$0x6]  }
0x19b: {  	[tilespmem:s30], [sflag:$0x3] =	stream.linear.gather [hbm4b:s1+s29], $0x2760, $0x38;
	[tilespmem:$0x1E8C0] =	vst v63  }
0x19c: {  	_ =	swait.ge [sflag:s6], $0x1400  }
0x19d: {  	[sflag:s6] =	ssyncset.done $0x0  }
0x19e: {  	[sflag:s6] =	ssyncadd.s32 $0xFFFFEC00  }
0x19f: {  	_ =	swait.ge [sflag:s6], $0x2760  }
0x1a0: {  	[sflag:s6] =	ssyncset.done $0x0  }
0x1a1: {  	[sflag:s6] =	ssyncadd.s32 $0xFFFFD8A0  }
0x1a2: {  	_ =	swait.ge [sflag:s6], $0x2760  }
0x1a3: {  	[sflag:s6] =	ssyncset.done $0x0  }
0x1a4: {  	[sflag:s6] =	ssyncadd.s32 $0xFFFFD8A0  }
0x1a5: {  	[bflag:$0x0] =	sbarrier.arrive $0xFFFF  }
0x1a6: {  	[tilespmem:s11], [sflag:$0x3] =	stream.indirect.gather [hbm4b:s4+s7], $0x40, s29, s7, $0xb8;
	[tilespmem:$0x1E8C0] =	vst v63  }
0x1a7: {  	_ =	swait.ge [sflag:s6], $0x7D00  }
0x1a8: {  	[sflag:s6] =	ssyncset.done $0x0  }
0x1a9: {  	[sflag:s6] =	ssyncadd.s32 $0xFFFF8300  }
0x1aa: {  	[spmem:s2] =	stream.indirect.scatter.add.f32 [tilespmem:s11], [sflag:$0x1], $0x40, s30, s7, $0xb8;
	[tilespmem:$0x1E8C0] =	vst v63  }
0x1ab: {  	s29 =	rddreg [dreg:$0x8]  }
0x1ac: {  	[tilespmem:s8], [sflag:$0x3] =	stream.indirect.gather [hbm4b:s4+s7], $0x40, s29, s7, $0xb8;
	[tilespmem:$0x1E8C0] =	vst v63  }
0x1ad: {  	_ =	swait.ge [sflag:s6], $0x7D00  }
0x1ae: {  	[sflag:s6] =	ssyncset.done $0x0  }
0x1af: {  	s1 =	rddreg [dreg:$0x9];
	[sflag:s6] =	ssyncadd.s32 $0xFFFF8300  }
0x1b0: {  	[spmem:s2] =	stream.indirect.scatter.add.f32 [tilespmem:s8], [sflag:$0x2], $0x40, s1, s7, $0xb8;
	[tilespmem:$0x1E8C0] =	vst v63  }
0x1b1: {  	_ =	swait.ge [sflag:s9], $0x7D00  }
0x1b2: {  	[sflag:s9] =	ssyncset.done $0x0  }
0x1b3: {  	s29 =	rddreg [dreg:$0xa];
	[sflag:s9] =	ssyncadd.s32 $0xFFFF8300  }
0x1b4: {  	[tilespmem:s11], [sflag:$0x3] =	stream.indirect.gather [hbm4b:s4+s7], $0x40, s29, s7, $0xb8;
	[tilespmem:$0x1E8C0] =	vst v63  }
0x1b5: {  	_ =	swait.ge [sflag:s6], $0x7D00  }
0x1b6: {  	[sflag:s6] =	ssyncset.done $0x0  }
0x1b7: {  	s30 =	rddreg [dreg:$0xb];
	[sflag:s6] =	ssyncadd.s32 $0xFFFF8300  }
0x1b8: {  	[spmem:s2] =	stream.indirect.scatter.add.f32 [tilespmem:s11], [sflag:$0x1], $0x40, s30, s7, $0xb8;
	[tilespmem:$0x1E8C0] =	vst v63  }
0x1b9: {  	_ =	swait.ge [sflag:s10], $0x7D00  }
0x1ba: {  	[sflag:s10] =	ssyncset.done $0x0  }
0x1bb: {  	s1 =	rddreg [dreg:$0xc];
	[sflag:s10] =	ssyncadd.s32 $0xFFFF8300  }
0x1bc: {  	[tilespmem:s8], [sflag:$0x3] =	stream.indirect.gather [hbm4b:s4+s7], $0x40, s1, s7, $0xb8;
	[tilespmem:$0x1E8C0] =	vst v63  }
0x1bd: {  	_ =	swait.ge [sflag:s6], $0x7D00  }
0x1be: {  	[sflag:s6] =	ssyncset.done $0x0  }
0x1bf: {  	s29 =	rddreg [dreg:$0xd];
	[sflag:s6] =	ssyncadd.s32 $0xFFFF8300  }
0x1c0: {  	[spmem:s2] =	stream.indirect.scatter.add.f32 [tilespmem:s8], [sflag:$0x2], $0x40, s29, s7, $0xb8;
	[tilespmem:$0x1E8C0] =	vst v63  }
0x1c1: {  	_ =	swait.ge [sflag:s9], $0x7D00  }
0x1c2: {  	[sflag:s9] =	ssyncset.done $0x0  }
0x1c3: {  	s30 =	rddreg [dreg:$0xe];
	[sflag:s9] =	ssyncadd.s32 $0xFFFF8300  }
0x1c4: {  	[tilespmem:s11], [sflag:$0x3] =	stream.indirect.gather [hbm4b:s4+s7], $0x40, s30, s7, $0xb8;
	[tilespmem:$0x1E8C0] =	vst v63  }
0x1c5: {  	_ =	swait.ge [sflag:s6], $0x7D00  }
0x1c6: {  	[sflag:s6] =	ssyncset.done $0x0  }
0x1c7: {  	s1 =	rddreg [dreg:$0xf];
	[sflag:s6] =	ssyncadd.s32 $0xFFFF8300  }
0x1c8: {  	[spmem:s2] =	stream.indirect.scatter.add.f32 [tilespmem:s11], [sflag:$0x1], $0x40, s1, s7, $0xb8;
	[tilespmem:$0x1E8C0] =	vst v63  }
0x1c9: {  	_ =	swait.ge [sflag:s10], $0x7D00  }
0x1ca: {  	[sflag:s10] =	ssyncset.done $0x0  }
0x1cb: {  	s29 =	rddreg [dreg:$0x10];
	[sflag:s10] =	ssyncadd.s32 $0xFFFF8300  }
0x1cc: {  	[tilespmem:s8], [sflag:$0x3] =	stream.indirect.gather [hbm4b:s4+s7], $0x40, s29, s7, $0xb8;
	[tilespmem:$0x1E8C0] =	vst v63  }
0x1cd: {  	_ =	swait.ge [sflag:s6], $0x7D00  }
0x1ce: {  	[sflag:s6] =	ssyncset.done $0x0  }
0x1cf: {  	s30 =	rddreg [dreg:$0x11];
	[sflag:s6] =	ssyncadd.s32 $0xFFFF8300  }
0x1d0: {  	[spmem:s2] =	stream.indirect.scatter.add.f32 [tilespmem:s8], [sflag:$0x2], $0x40, s30, s7, $0xb8;
	[tilespmem:$0x1E8C0] =	vst v63  }
0x1d1: {  	_ =	swait.ge [sflag:s9], $0x7D00  }
0x1d2: {  	[sflag:s9] =	ssyncset.done $0x0  }
0x1d3: {  	s1 =	rddreg [dreg:$0x12];
	[sflag:s9] =	ssyncadd.s32 $0xFFFF8300  }
0x1d4: {  	[tilespmem:s11], [sflag:$0x3] =	stream.indirect.gather [hbm4b:s4+s7], $0x40, s1, s7, $0xb8;
	[tilespmem:$0x1E8C0] =	vst v63  }
0x1d5: {  	_ =	swait.ge [sflag:s6], $0x7D00  }
0x1d6: {  	[sflag:s6] =	ssyncset.done $0x0  }
0x1d7: {  	s29 =	rddreg [dreg:$0x13];
	[sflag:s6] =	ssyncadd.s32 $0xFFFF8300  }
0x1d8: {  	[spmem:s2] =	stream.indirect.scatter.add.f32 [tilespmem:s11], [sflag:$0x1], $0x40, s29, s7, $0xb8;
	[tilespmem:$0x1E8C0] =	vst v63  }
0x1d9: {  	_ =	swait.ge [sflag:s10], $0x7D00  }
0x1da: {  	[sflag:s10] =	ssyncset.done $0x0  }
0x1db: {  	s30 =	rddreg [dreg:$0x14];
	[sflag:s10] =	ssyncadd.s32 $0xFFFF8300  }
0x1dc: {  	[tilespmem:s8], [sflag:$0x3] =	stream.indirect.gather [hbm4b:s4+s7], $0x40, s30, s7, $0xb8;
	[tilespmem:$0x1E8C0] =	vst v63  }
0x1dd: {  	_ =	swait.ge [sflag:s6], $0x7D00  }
0x1de: {  	[sflag:s6] =	ssyncset.done $0x0  }
0x1df: {  	s1 =	rddreg [dreg:$0x15];
	[sflag:s6] =	ssyncadd.s32 $0xFFFF8300  }
0x1e0: {  	[spmem:s2] =	stream.indirect.scatter.add.f32 [tilespmem:s8], [sflag:$0x2], $0x40, s1, s7, $0xb8;
	[tilespmem:$0x1E8C0] =	vst v63  }
0x1e1: {  	_ =	swait.ge [sflag:s9], $0x7D00  }
0x1e2: {  	[sflag:s9] =	ssyncset.done $0x0  }
0x1e3: {  	s29 =	rddreg [dreg:$0x16];
	[sflag:s9] =	ssyncadd.s32 $0xFFFF8300  }
0x1e4: {  	[tilespmem:s11], [sflag:$0x3] =	stream.indirect.gather [hbm4b:s4+s7], $0x40, s29, s7, $0xb8;
	[tilespmem:$0x1E8C0] =	vst v63  }
0x1e5: {  	_ =	swait.ge [sflag:s6], $0x7D00  }
0x1e6: {  	[sflag:s6] =	ssyncset.done $0x0  }
0x1e7: {  	s30 =	rddreg [dreg:$0x17];
	[sflag:s6] =	ssyncadd.s32 $0xFFFF8300  }
0x1e8: {  	[spmem:s2] =	stream.indirect.scatter.add.f32 [tilespmem:s11], [sflag:$0x1], $0x40, s30, s7, $0xb8;
	[tilespmem:$0x1E8C0] =	vst v63  }
0x1e9: {  	_ =	swait.ge [sflag:s10], $0x7D00  }
0x1ea: {  	[sflag:s10] =	ssyncset.done $0x0  }
0x1eb: {  	s1 =	rddreg [dreg:$0x18];
	[sflag:s10] =	ssyncadd.s32 $0xFFFF8300  }
0x1ec: {  	[tilespmem:s8], [sflag:$0x3] =	stream.indirect.gather [hbm4b:s4+s7], $0x40, s1, s7, $0xb8;
	[tilespmem:$0x1E8C0] =	vst v63  }
0x1ed: {  	_ =	swait.ge [sflag:s6], $0x7D00  }
0x1ee: {  	[sflag:s6] =	ssyncset.done $0x0  }
0x1ef: {  	s29 =	rddreg [dreg:$0x19];
	[sflag:s6] =	ssyncadd.s32 $0xFFFF8300  }
0x1f0: {  	[spmem:s2] =	stream.indirect.scatter.add.f32 [tilespmem:s8], [sflag:$0x2], $0x40, s29, s7, $0xb8;
	[tilespmem:$0x1E8C0] =	vst v63  }
0x1f1: {  	_ =	swait.ge [sflag:s9], $0x7D00  }
0x1f2: {  	[sflag:s9] =	ssyncset.done $0x0  }
0x1f3: {  	s30 =	rddreg [dreg:$0x1a];
	[sflag:s9] =	ssyncadd.s32 $0xFFFF8300  }
0x1f4: {  	[tilespmem:s11], [sflag:$0x3] =	stream.indirect.gather [hbm4b:s4+s7], $0x40, s30, s7, $0xb8;
	[tilespmem:$0x1E8C0] =	vst v63  }
0x1f5: {  	_ =	swait.ge [sflag:s6], $0x7D00  }
0x1f6: {  	[sflag:s6] =	ssyncset.done $0x0  }
0x1f7: {  	s1 =	rddreg [dreg:$0x1b];
	[sflag:s6] =	ssyncadd.s32 $0xFFFF8300  }
0x1f8: {  	[spmem:s2] =	stream.indirect.scatter.add.f32 [tilespmem:s11], [sflag:$0x1], $0x40, s1, s7, $0xb8;
	[tilespmem:$0x1E8C0] =	vst v63  }
0x1f9: {  	_ =	swait.ge [sflag:s10], $0x7D00  }
0x1fa: {  	[sflag:s10] =	ssyncset.done $0x0  }
0x1fb: {  	s29 =	rddreg [dreg:$0x1c];
	[sflag:s10] =	ssyncadd.s32 $0xFFFF8300  }
0x1fc: {  	[tilespmem:s8], [sflag:$0x3] =	stream.indirect.gather [hbm4b:s4+s7], $0x40, s29, s7, $0xb8;
	[tilespmem:$0x1E8C0] =	vst v63  }
0x1fd: {  	_ =	swait.ge [sflag:s6], $0x7D00  }
0x1fe: {  	[sflag:s6] =	ssyncset.done $0x0  }
0x1ff: {  	s30 =	rddreg [dreg:$0x1d];
	[sflag:s6] =	ssyncadd.s32 $0xFFFF8300  }
0x200: {  	[spmem:s2] =	stream.indirect.scatter.add.f32 [tilespmem:s8], [sflag:$0x2], $0x40, s30, s7, $0xb8;
	[tilespmem:$0x1E8C0] =	vst v63  }
0x201: {  	_ =	swait.ge [sflag:s9], $0x7D00  }
0x202: {  	[sflag:s9] =	ssyncset.done $0x0  }
0x203: {  	s1 =	rddreg [dreg:$0x1e];
	[sflag:s9] =	ssyncadd.s32 $0xFFFF8300  }
0x204: {  	[tilespmem:s11], [sflag:$0x3] =	stream.indirect.gather [hbm4b:s4+s7], $0x40, s1, s7, $0xb8;
	[tilespmem:$0x1E8C0] =	vst v63  }
0x205: {  	_ =	swait.ge [sflag:s6], $0x7D00  }
0x206: {  	[sflag:s6] =	ssyncset.done $0x0  }
0x207: {  	[sflag:s6] =	ssyncadd.s32 $0xFFFF8300  }
0x208: {  	[spmem:s2] =	stream.indirect.scatter.add.f32 [tilespmem:s11], [sflag:$0x1], $0x40, s28, s7, $0xb8;
	[tilespmem:$0x1E8C0] =	vst v63  }
0x209: {  	_ =	swait.ge [sflag:s10], $0x7D00  }
0x20a: {  	[sflag:s10] =	ssyncset.done $0x0  }
0x20b: {  	[sflag:s10] =	ssyncadd.s32 $0xFFFF8300  }
0x20c: {  	[tilespmem:s8], [sflag:$0x3] =	stream.indirect.gather [hbm4b:s4+s7], $0x40, s26, s7, $0xb8;
	[tilespmem:$0x1E8C0] =	vst v63  }
0x20d: {  	_ =	swait.ge [sflag:s6], $0x7D00  }
0x20e: {  	[sflag:s6] =	ssyncset.done $0x0  }
0x20f: {  	[sflag:s6] =	ssyncadd.s32 $0xFFFF8300  }
0x210: {  	[spmem:s2] =	stream.indirect.scatter.add.f32 [tilespmem:s8], [sflag:$0x2], $0x40, s25, s7, $0xb8;
	[tilespmem:$0x1E8C0] =	vst v63  }
0x211: {  	_ =	swait.ge [sflag:s9], $0x7D00  }
0x212: {  	[sflag:s9] =	ssyncset.done $0x0  }
0x213: {  	[sflag:s9] =	ssyncadd.s32 $0xFFFF8300  }
0x214: {  	[tilespmem:s11], [sflag:$0x3] =	stream.indirect.gather [hbm4b:s4+s7], $0x40, s24, s7, $0xb8;
	[tilespmem:$0x1E8C0] =	vst v63  }
0x215: {  	_ =	swait.ge [sflag:s6], $0x7D00  }
0x216: {  	[sflag:s6] =	ssyncset.done $0x0  }
0x217: {  	[sflag:s6] =	ssyncadd.s32 $0xFFFF8300  }
0x218: {  	[spmem:s2] =	stream.indirect.scatter.add.f32 [tilespmem:s11], [sflag:$0x1], $0x40, s23, s7, $0xb8;
	[tilespmem:$0x1E8C0] =	vst v63  }
0x219: {  	_ =	swait.ge [sflag:s10], $0x7D00  }
0x21a: {  	[sflag:s10] =	ssyncset.done $0x0  }
0x21b: {  	[sflag:s10] =	ssyncadd.s32 $0xFFFF8300  }
0x21c: {  	[tilespmem:s8], [sflag:$0x3] =	stream.indirect.gather [hbm4b:s4+s7], $0x40, s22, s7, $0xb8;
	[tilespmem:$0x1E8C0] =	vst v63  }
0x21d: {  	_ =	swait.ge [sflag:s6], $0x7D00  }
0x21e: {  	[sflag:s6] =	ssyncset.done $0x0  }
0x21f: {  	[sflag:s6] =	ssyncadd.s32 $0xFFFF8300  }
0x220: {  	[spmem:s2] =	stream.indirect.scatter.add.f32 [tilespmem:s8], [sflag:$0x2], $0x40, s21, s7, $0xb8;
	[tilespmem:$0x1E8C0] =	vst v63  }
0x221: {  	_ =	swait.ge [sflag:s9], $0x7D00  }
0x222: {  	[sflag:s9] =	ssyncset.done $0x0  }
0x223: {  	[sflag:s9] =	ssyncadd.s32 $0xFFFF8300  }
0x224: {  	[tilespmem:s11], [sflag:$0x3] =	stream.indirect.gather [hbm4b:s4+s7], $0x40, s20, s7, $0xb8;
	[tilespmem:$0x1E8C0] =	vst v63  }
0x225: {  	_ =	swait.ge [sflag:s6], $0x7D00  }
0x226: {  	[sflag:s6] =	ssyncset.done $0x0  }
0x227: {  	[sflag:s6] =	ssyncadd.s32 $0xFFFF8300  }
0x228: {  	[spmem:s2] =	stream.indirect.scatter.add.f32 [tilespmem:s11], [sflag:$0x1], $0x40, s19, s7, $0xb8;
	[tilespmem:$0x1E8C0] =	vst v63  }
0x229: {  	_ =	swait.ge [sflag:s10], $0x7D00  }
0x22a: {  	[sflag:s10] =	ssyncset.done $0x0  }
0x22b: {  	[sflag:s10] =	ssyncadd.s32 $0xFFFF8300  }
0x22c: {  	[tilespmem:s8], [sflag:$0x3] =	stream.indirect.gather [hbm4b:s4+s7], $0x40, s18, s7, $0xb8;
	[tilespmem:$0x1E8C0] =	vst v63  }
0x22d: {  	_ =	swait.ge [sflag:s6], $0x7D00  }
0x22e: {  	[sflag:s6] =	ssyncset.done $0x0  }
0x22f: {  	[sflag:s6] =	ssyncadd.s32 $0xFFFF8300  }
0x230: {  	[spmem:s2] =	stream.indirect.scatter.add.f32 [tilespmem:s8], [sflag:$0x2], $0x40, s16, s7, $0xb8;
	[tilespmem:$0x1E8C0] =	vst v63  }
0x231: {  	_ =	swait.ge [sflag:s9], $0x7D00  }
0x232: {  	[sflag:s9] =	ssyncset.done $0x0  }
0x233: {  	[sflag:s9] =	ssyncadd.s32 $0xFFFF8300  }
0x234: {  	[tilespmem:s11], [sflag:$0x3] =	stream.indirect.gather [hbm4b:s4+s7], $0x40, s17, s7, $0xb8;
	[tilespmem:$0x1E8C0] =	vst v63  }
0x235: {  	_ =	swait.ge [sflag:s6], $0x7D00  }
0x236: {  	[sflag:s6] =	ssyncset.done $0x0  }
0x237: {  	[sflag:s6] =	ssyncadd.s32 $0xFFFF8300  }
0x238: {  	[spmem:s2] =	stream.indirect.scatter.add.f32 [tilespmem:s11], [sflag:$0x1], $0x40, s15, s7, $0xb8;
	[tilespmem:$0x1E8C0] =	vst v63  }
0x239: {  	_ =	swait.ge [sflag:s10], $0x7D00  }
0x23a: {  	[sflag:s10] =	ssyncset.done $0x0  }
0x23b: {  	[sflag:s10] =	ssyncadd.s32 $0xFFFF8300  }
0x23c: {  	[tilespmem:s8], [sflag:$0x3] =	stream.indirect.gather [hbm4b:s4+s7], $0x40, s14, s7, $0xb8;
	[tilespmem:$0x1E8C0] =	vst v63  }
0x23d: {  	_ =	swait.ge [sflag:s6], $0x7D00  }
0x23e: {  	[sflag:s6] =	ssyncset.done $0x0  }
0x23f: {  	[sflag:s6] =	ssyncadd.s32 $0xFFFF8300  }
0x240: {  	[spmem:s2] =	stream.indirect.scatter.add.f32 [tilespmem:s8], [sflag:$0x2], $0x40, s13, s7, $0xb8;
	[tilespmem:$0x1E8C0] =	vst v63  }
0x241: {  	_ =	swait.ge [sflag:s9], $0x7D00  }
0x242: {  	[sflag:s9] =	ssyncset.done $0x0  }
0x243: {  	[sflag:s9] =	ssyncadd.s32 $0xFFFF8300  }
0x244: {  	_ =	swait.ge [sflag:s10], $0x7D00  }
0x245: {  	[sflag:s10] =	ssyncset.done $0x0  }
0x246: {  	[sflag:s10] =	ssyncadd.s32 $0xFFFF8300  }
0x247: {  	[bflag:$0x0] =	sbarrier.arrive $0xFFFF  }
0x248: {  	s30 =	sor.u32 $0x1C04, s3;
	s29 =	rddreg [dreg:$0x7]  }
0x249: {  	[hbm:s29], [sflag:s30] =	dma.local [spmem:s5], $0x1400  }
0x24a: {  	_ =	swait.ge [sflag:s12], $0x1400  }
0x24b: {  	[sflag:s12] =	ssyncset.done $0x0  }
0x24c: {  	[sflag:s12] =	ssyncadd.s32 $0xFFFFEC00  }
0x24d: {  	_ =	sfence.sel $0x180000  }
0x24e: {  	[bflag:$0x0] =	sbarrier.arrive $0xFFFF  }
0x24f: {  	_ =	strace $0x9000004A  }
0x250: {  	[bflag:$0x2] =	sbarrier.arrive $0xFFFF  }
0x251: {  	p0 =	sne.s32 s31, $0x0;
	s0 =	rddreg [dreg:$0x2]  }
0x252: {  	s0 =	sadd.s32 @!p0 $0x100000, s0  }
0x253: {  	[sflag:s0] =	ssyncadd.tile.s32 @!p0 $0x1;
	_ =	shalt  }
.LBB2_2:
.Ltmp3:
0x254: {  	(pc) =	sbr.rel .LBB2_5-.Ltmp3, $2  }
0x255: {  	_ =	sdelay $0x2  }
0x256: {  	s31 =	stileid.u32;
	s3 =	rddreg [dreg:$0x1f]  }
.Lfunc_end2:
_tile_overlayer_lowered:
.L_overlay_start_2:
0x257: {  	(tag) =	ssettag $0x2  }
0x258: {  	s0 =	rddreg [dreg:$0x0];
	s2 =	stileid.u32  }
0x259: {  	s1 =	rddreg [dreg:$0x1];
	p0 =	sne.s32 s2, $0x0  }
0x25a: {  	s3 =	rddreg [dreg:$0x2];
	[bflag:$0x3] =	sbarrier.arrive $0xFFFF;
	s2 =	simm.s32 @!p0 $0x1C04  }
0x25b: {  	[timem:s3], [sflag:s2] =	dma.local @!p0 [hbm:s0], s1  }
0x25c: {  	s0 =	simm.s32 @!p0 $0x4  }
0x25d: {  	_ =	swait.ge @!p0 [sflag:s0], s1  }
0x25e: {  	s1 =	ssub.s32 @!p0 $0x0, s1;
	[sflag:s0] =	ssyncset.done @!p0 $0x0  }
0x25f: {  	[sflag:s0] =	ssyncadd.s32 @!p0 s1  }
0x260: {  	[bflag:$0x3] =	sbarrier.arrive $0xFFFF  }
0x261: {  	_ =	shalt  }

// kernel: kernel.7.cloned.1.call-start
scs
__scs_entry_jumppad:
0x0: {  	(pc) =	sbr.rel $0x88, $3  }
0x1: {  	(tag) =	ssettag $0x0;
	lr =	simm.s32 $0x1  }
0x2: {  	[smem:$0x3F99] =	sst lr;
	_ =	strace $0xD0000000  }
0x3: {  	_ = 	snop  }
0x4: {  	_ = 	snop  }
0x5: {  	_ = 	snop  }
0x6: {  	_ = 	snop  }
0x7: {  	_ = 	snop  }
__scs_overlays_trampoline_lowered:
0x8: {  	[smem:$0x3FA8] =	sst s0  }
0x9: {  	[smem:$0x3FA9] =	sst s1  }
0xa: {  	[smem:$0x3FAA] =	sst s2  }
0xb: {  	[smem:$0x3FAB] =	sst s3  }
0xc: {  	[smem:$0x3FAC] =	sst s4  }
0xd: {  	[smem:$0x3FAD] =	sst s5  }
0xe: {  	[smem:$0x3FAE] =	sst s6  }
0xf: {  	[smem:$0x3FAF] =	sst s7  }
0x10: {  	[smem:$0x3FB0] =	sst s8  }
0x11: {  	[smem:$0x3FB1] =	sst s9;
	s0 =	simm.s32 @!p0 $0x0  }
0x12: {  	s1 =	sld [smem:$0x3F97];
	s0 =	simm.s32 @p0 $0x1  }
0x13: {  	[smem:$0x3FB2] =	sst s0;
	s0 =	simm.s32 @!p1 $0x0  }
0x14: {  	s2 =	sld [smem:$0x3F96];
	s0 =	simm.s32 @p1 $0x1  }
0x15: {  	[smem:$0x3FB3] =	sst s0;
	s0 =	simm.s32 @!p2 $0x0  }
0x16: {  	s3 =	sld [smem:$0x3FDB];
	s0 =	simm.s32 @p2 $0x1  }
0x17: {  	s4 =	simm.s32 $0x1BF5;
	[smem:$0x3FB5] =	sst s0  }
0x18: {  	s0 =	sld [smem:$0x3F98];
	_ =	swait.ge [sflag:s4], $0x0  }
0x19: {  	s7 =	sld [smem:$0x3F99]  }
0x1a: {  	s8 =	sadd.s32 $0xFFFFE003, lr  }
0x1b: {  	s9 =	sadd.s32 $0xFFFFFEF7, lr;
	s5 =	simm.s32 $0xFFFFFFFF;
	p2 =	slt.u32 s8, $0xFFFFF086  }
0x1c: {  	p1 =	slt.u32 s9, $0xF7A;
	s5 =	simm.s32 @!p2 $0x0  }
0x1d: {  	s5 =	simm.s32 @p1 $0x1;
	p0 =	seq.s32 s7, s2  }
0x1e: {  	s7 =	smul.u32 @!p0 $0xF7A, s2;
	p2 =	seq.s32 @!p0 s5, $0x0  }
0x1f: {  	s9 =	smul.u32 $0xF7A, s1;
	s8 =	simm.s32 @!p0 $0x1BF5;
	p2 =	por !p2, p0  }
0x20: {  	[sflag:s8] =	ssyncset.s32 @!p0 $0xFFFFF086;
	s6 =	sadd.s32 @!p0 s3, s7;
	s7 =	simm.s32 @!p0 $0x108  }
0x21: {  	s3 =	sadd.s32 s3, s9;
	s6 =	sadd.s32 @!p0 $0x88, s6;
	s7 =	simm.s32 @p2 $0x1082  }
0x22: {  	[simem:s7], [sflag:s8] =	dma.local @!p0 [hbm:s6], $0xF7A  }
0x23: {  	s9 =	sor.u32 $0xD0000000, s2;
	s6 =	simm.s32 $0x108;
	_ =	swait.ge @!p0 [sflag:s8], $0x0  }
0x24: {  	s3 =	sadd.s32 $0x88, s3;
	s6 =	simm.s32 @!p1 $0x1082;
	[sflag:s4] =	ssyncset.s32 $0xFFFFF086  }
0x25: {  	[simem:s6], [sflag:s4] =	dma.local [hbm:s3], $0xF7A  }
0x26: {  	[smem:$0x3F99] =	sst s1;
	(tag) =	ssettag s2;
	_ =	strace s9  }
0x27: {  	s1 =	sld [smem:$0x3FA9]  }
0x28: {  	s2 =	sld [smem:$0x3FAA]  }
0x29: {  	s4 =	sld [smem:$0x3FAC]  }
0x2a: {  	p0 =	seq.s32 s5, $0x0;
	s5 =	sld [smem:$0x3FAD]  }
0x2b: {  	s6 =	sld [smem:$0x3FAE]  }
0x2c: {  	s7 =	sld [smem:$0x3FAF]  }
0x2d: {  	s3 =	simm.s32 $0x108;
	s8 =	sld [smem:$0x3FB0]  }
0x2e: {  	s3 =	simm.s32 @!p0 $0x1082;
	s9 =	sld [smem:$0x3FB1]  }
0x2f: {  	lr =	sadd.s32 s0, s3;
	s0 =	sld [smem:$0x3FA8]  }
0x30: {  	s3 =	sld [smem:$0x3FAB]  }
0x31: {  	[smem:$0x3FB4] =	sst s10  }
0x32: {  	s10 =	sld [smem:$0x3FB2];
	_ =	sdelay $0x3  }
0x33: {  	p0 =	seq.s32 s10, $0x1;
	s10 =	sld [smem:$0x3FB4];
	_ =	sdelay $0x3  }
0x34: {  	[smem:$0x3FB4] =	sst s10  }
0x35: {  	s10 =	sld [smem:$0x3FB3];
	_ =	sdelay $0x3  }
0x36: {  	p1 =	seq.s32 s10, $0x1;
	s10 =	sld [smem:$0x3FB4];
	_ =	sdelay $0x3  }
0x37: {  	[smem:$0x3FB4] =	sst s10  }
0x38: {  	s10 =	sld [smem:$0x3FB5]  }
0x39: {  	_ = 	snop;
	(pc) =	sbr.ind lr, $3  }
0x3a: {  	_ = 	snop  }
0x3b: {  	_ = 	snop  }
0x3c: {  	p2 =	seq.s32 s10, $0x1;
	s10 =	sld [smem:$0x3FB4]  }
0x3d: {  	_ =	shalt  }
0x3e: {  	_ =	shalt  }
0x3f: {  	_ =	shalt  }
0x40: {  	_ =	shalt  }
0x41: {  	_ =	shalt  }
0x42: {  	_ =	shalt  }
0x43: {  	_ =	shalt  }
0x44: {  	_ =	shalt  }
0x45: {  	_ =	shalt  }
0x46: {  	_ =	shalt  }
0x47: {  	_ =	shalt  }
0x48: {  	_ =	shalt  }
0x49: {  	_ =	shalt  }
0x4a: {  	_ =	shalt  }
0x4b: {  	_ =	shalt  }
0x4c: {  	_ =	shalt  }
0x4d: {  	_ =	shalt  }
0x4e: {  	_ =	shalt  }
0x4f: {  	_ =	shalt  }
0x50: {  	_ =	shalt  }
0x51: {  	_ =	shalt  }
0x52: {  	_ =	shalt  }
0x53: {  	_ =	shalt  }
0x54: {  	_ =	shalt  }
0x55: {  	_ =	shalt  }
0x56: {  	_ =	shalt  }
0x57: {  	_ =	shalt  }
0x58: {  	_ =	shalt  }
0x59: {  	_ =	shalt  }
0x5a: {  	_ =	shalt  }
0x5b: {  	_ =	shalt  }
0x5c: {  	_ =	shalt  }
0x5d: {  	_ =	shalt  }
0x5e: {  	_ =	shalt  }
0x5f: {  	_ =	shalt  }
0x60: {  	_ =	shalt  }
0x61: {  	_ =	shalt  }
0x62: {  	_ =	shalt  }
0x63: {  	_ =	shalt  }
0x64: {  	_ =	shalt  }
0x65: {  	_ =	shalt  }
0x66: {  	_ =	shalt  }
0x67: {  	_ =	shalt  }
0x68: {  	_ =	shalt  }
0x69: {  	_ =	shalt  }
0x6a: {  	_ =	shalt  }
0x6b: {  	_ =	shalt  }
0x6c: {  	_ =	shalt  }
0x6d: {  	_ =	shalt  }
0x6e: {  	_ =	shalt  }
0x6f: {  	_ =	shalt  }
0x70: {  	_ =	shalt  }
0x71: {  	_ =	shalt  }
0x72: {  	_ =	shalt  }
0x73: {  	_ =	shalt  }
0x74: {  	_ =	shalt  }
0x75: {  	_ =	shalt  }
0x76: {  	_ =	shalt  }
0x77: {  	_ =	shalt  }
0x78: {  	_ =	shalt  }
0x79: {  	_ =	shalt  }
0x7a: {  	_ =	shalt  }
0x7b: {  	_ =	shalt  }
0x7c: {  	_ =	shalt  }
0x7d: {  	_ =	shalt  }
0x7e: {  	_ =	shalt  }
0x7f: {  	_ =	shalt  }
0x80: {  	_ =	shalt  }
0x81: {  	_ =	shalt  }
0x82: {  	_ =	shalt  }
0x83: {  	_ =	shalt  }
0x84: {  	_ =	shalt  }
0x85: {  	_ =	shalt  }
0x86: {  	_ =	shalt  }
0x87: {  	_ =	shalt  }
.Lfunc_end0:
.L_simem_size_0:
called_computation_lowered:
.L_overlay_start_0:
0x88: {  	s2 =	sld [smem:$0x3FD9]  }
0x89: {  	s3 =	sld [smem:$0x3FFE];
	_ =	sdelay $0x1  }
0x8a: {  	s1 =	srdreg.scid  }
0x8b: {  	s0 =	sand.u32 $0x1, s1  }
0x8c: {  	s17 =	sshll.u32 s0, $0xA;
	s2 =	sadd.s32 s3, s2  }
0x8d: {  	s2 =	sadd.s32 s2, s17  }
0x8e: {  	[smem:$0x3FC0] =	sst s2  }
0x8f: {  	_ = 	snop  }
0x90: {  	s2 =	sld [smem:$0x3FD0];
	(tm) =	ssettm $0x1  }
0x91: {  	s18 =	sld [smem:$0x3FFB];
	_ =	sdelay $0x3  }
0x92: {  	_ =	strace s18  }
0x93: {  	s3 =	sld [smem:$0x3FFC];
	_ =	sdelay $0x3  }
0x94: {  	_ =	strace s3  }
0x95: {  	s3 =	sld [smem:$0x3FFD];
	_ =	sdelay $0x3  }
0x96: {  	_ =	strace s3  }
0x97: {  	_ =	strace $0x8FFFFFFF  }
0x98: {  	s19 =	sld [smem:$0x3FDB];
	_ =	sdelay $0x1  }
0x99: {  	s4 =	simm.s32 $_scs_section_size  }
0x9a: {  	s5 =	simm.s32 $_size__tile_overlayer_lowered;
	s6 =	simm.s32 $_tile_overlayer_lowered  }
0x9b: {  	s22 =	simm.s32 $0x1BFF;
	s21 =	sshll.u32 s6, $0x1;
	s3 =	sadd.s32 s4, s19  }
0x9c: {  	s7 =	simm.s32 $0x0;
	s20 =	sshll.u32 s5, $0x1;
	s5 =	sadd.s32 s21, s3  }
0x9d: {  	[timem:s7], [sflag:s22] =	dma.local [hbm:s5], s20  }
0x9e: {  	_ =	swait.ge [sflag:s22], s20  }
0x9f: {  	s4 =	ssub.s32 $0x0, s20;
	[sflag:s22] =	ssyncset.done $0x0  }
0xa0: {  	[sflag:s22] =	ssyncadd.s32 s4;
	_ =	sdelay $0x1  }
0xa1: {  	s23 =	simm.s32 $0x1B8B  }
0xa2: {  	_ =	swait.ge [sflag:s23], $0x1  }
0xa3: {  	[sflag:s23] =	ssyncset.done $0x0  }
0xa4: {  	s25 =	simm.s32 $0x1B8E;
	s24 =	sld [smem:$0x3FFE];
	[sflag:s23] =	ssyncadd.s32 $0xFFFFFFFF  }
0xa5: {  	s26 =	simm.s32 $execute0_lowered;
	[smem:$0x3FD2] =	sst s25  }
0xa6: {  	s5 =	sshll.u32 s26, $0x1;
	_ =	strace $0x80000046;
	[dreg:$0x1] =	wrdreg $0xFFFFFFFF  }
0xa7: {  	s28 =	simm.s32 $_size_execute0_lowered;
	s3 =	sadd.s32 s3, s5;
	[dreg:$0x0] =	wrdreg $0x0  }
0xa8: {  	s5 =	sshll.u32 s28, $0x1;
	[dreg:$0x2] =	wrdreg s3  }
0xa9: {  	[dreg:$0x3] =	wrdreg s5  }
0xaa: {  	[dreg:$0x4] =	wrdreg $0xC0  }
0xab: {  	_ =	task [dreg:s7], $0x5FFFF  }
0xac: {  	[dreg:$0x1] =	wrdreg $0xFFFFFFFF  }
0xad: {  	[dreg:$0x0] =	wrdreg $0x60  }
0xae: {  	[dreg:$0x2] =	wrdreg s2  }
0xaf: {  	[dreg:$0x3] =	wrdreg s24  }
0xb0: {  	[dreg:$0x4] =	wrdreg $0xEC400  }
0xb1: {  	[dreg:$0x5] =	wrdreg $0x9  }
0xb2: {  	_ =	task.clear_ibuf [dreg:s7], $0x6FFFF;
	_ =	strace $0x90000046  }
0xb3: {  	s29 =	simm.s32 $0x9;
	_ =	strace $0x80000048  }
0xb4: {  	_ =	swait.ge [sflag:s29], $0x1  }
0xb5: {  	[sflag:s29] =	ssyncadd.s32 $0xFFFFFFFF  }
0xb6: {  	_ =	strace $0x90000048  }
0xb7: {  	_ =	sfence  }
0xb8: {  	s30 =	sld [smem:$0x0];
	_ =	sdelay $0x2  }
0xb9: {  	s31 =	sshll.u32 s1, $0xD;
	s1 =	sshrl.u32 s1, $0x2  }
0xba: {  	s3 =	sand.u32 $0x4000, s31;
	s1 =	sadd.s32 s1, s30  }
0xbb: {  	s0 =	sor.u32 s3, s0;
	s1 =	sshll.u32 s1, $0x11  }
0xbc: {  	s0 =	sor.u32 s1, s0  }
0xbd: {  	s0 =	sadd.s32 $0x8F2B, s0  }
0xbe: {  	[sflag:s0] =	ssyncadd.remote.s32 $0x1  }
0xbf: {  	_ =	sfence.sel $0xFFFF  }
0xc0: {  	[dreg:$0x0] =	wrdreg $0xFFFFFFFF;
	(pc) =	sbr.abs _section_cstart, $3  }
0xc1: {  	[dreg:$0x1] =	wrdreg $0xFFFFFFFF  }
0xc2: {  	_ =	task.clear_ibuf [dreg:s7], $0x2FFFF;
	_ =	strace $0x9FFFFFFF  }
0xc3: {  	(tm) =	ssettm $0x7FFFFFFF  }
tec
execute0_lowered:
.L_overlay_start_1:
0x0: {  	(tag) =	ssettag $0x1  }
0x1: {  	s1 =	rddreg [dreg:$0x0]  }
0x2: {  	s6 =	rddreg [dreg:$0x1]  }
0x3: {  	s3 =	rddreg [dreg:$0x2]  }
0x4: {  	s0 =	rddreg [dreg:$0x3]  }
0x5: {  	s4 =	srdreg.scid;
	s2 =	stileid.u32;
	s14 =	simm.s32 $0xFA  }
0x6: {  	s15 =	simm.s32 $0x5000;
	s16 =	simm.s32 $0x100;
	s17 =	simm.s32 $0x9E20  }
0x7: {  	s18 =	simm.s32 $0x2900;
	s19 =	simm.s32 $0x1;
	s20 =	simm.s32 $0x2  }
0x8: {  	s22 =	simm.s32 $0x4;
	s23 =	simm.s32 $0x0;
	s5 =	sand.u32 $0x1, s4  }
0x9: {  	s7 =	sshll.u32 s2, $0x1;
	s8 =	smul.u32 $0xC800, s2;
	s4 =	simm.s32 $0x0  }
0xa: {  	s21 =	sshll.u32 s2, $0x6;
	s7 =	sor.u32 s5, s7;
	s9 =	smul.u32 $0xC8000, s5  }
0xb: {  	[smem:$0x7FF] =	sst s4;
	s30 =	ssub.s32 $0x2, s5;
	s5 =	sadd.s32 $0x16200, s6  }
0xc: {  	s7 =	smul.u32 $0x500, s7;
	_ =	strace $0x80000047;
	s9 =	sadd.s32 s8, s9  }
0xd: {  	s31 =	sshrl.u32 s30, $0x1;
	s13 =	sadd.s32 s8, s3;
	s29 =	sshrl.u32 s9, $0x3  }
0xe: {  	s12 =	ssub.s32 s30, s31;
	s10 =	sadd.s32 s7, s6;
	s11 =	sadd.s32 s29, s6  }
0xf: {  	s6 =	sor.u32 $0x1C03, s21;
	s7 =	sadd.s32 $0xC200, s10;
	s8 =	sadd.s32 $0x2200, s10  }
0x10: {  	s10 =	smax.u32 s12, $0x1;
	s12 =	simm.s32 $0x2800;
	s21 =	sor.u32 $0x1C04, s21  }
0x11: {  	s9 =	sadd.s32 $0x17C00, s11;
	s11 =	sshrl.u32 s13, $0x3;
	s13 =	simm.s32 $0x3  }
.LBB2_1:
0x12: {  	[spmem:s11], [sflag:s6] =	dma.local [hbm:s5], $0x1900  }
0x13: {  	[tilespmem:s4], [sflag:$0x3] =	stream.linear.gather [hbm4b:s7+s4], $0x2800, $0x38;
	[tilespmem:$0x1B440] =	vst v63  }
0x14: {  	_ = 	snop  }
0x15: {  	[tilespmem:s12], [sflag:$0x3] =	stream.linear.gather [hbm4b:s8+s4], $0x2800, $0x38;
	[tilespmem:$0x1B440] =	vst v63  }
0x16: {  	_ =	swait.ge [sflag:s13], $0x1900  }
0x17: {  	[sflag:s13] =	ssyncset.done $0x0  }
0x18: {  	[sflag:s13] =	ssyncadd.s32 $0xFFFFE700  }
0x19: {  	_ =	swait.ge [sflag:s13], $0x2800  }
0x1a: {  	[sflag:s13] =	ssyncset.done $0x0  }
0x1b: {  	[sflag:s13] =	ssyncadd.s32 $0xFFFFD800  }
0x1c: {  	_ =	swait.ge [sflag:s13], $0x2800  }
0x1d: {  	[sflag:s13] =	ssyncset.done $0x0  }
0x1e: {  	[sflag:s13] =	ssyncadd.s32 $0xFFFFD800  }
0x1f: {  	[bflag:$0x0] =	sbarrier.arrive $0xFFFF  }
0x20: {  	[tilespmem:s15], [sflag:$0x3] =	stream.indirect.gather [hbm4b:s1+s14], $0x50, s4, s14, $0xb8;
	[tilespmem:$0x1B440] =	vst v63  }
0x21: {  	_ =	swait.ge [sflag:s13], $0x4E20  }
0x22: {  	[sflag:s13] =	ssyncset.done $0x0  }
0x23: {  	[sflag:s13] =	ssyncadd.s32 $0xFFFFB1E0  }
0x24: {  	[spmem:s3] =	stream.indirect.scatter.add.f32 [tilespmem:s15], [sflag:$0x1], $0x50, s12, s14, $0xb8;
	[tilespmem:$0x1B440] =	vst v63  }
0x25: {  	_ = 	snop  }
0x26: {  	[tilespmem:s17], [sflag:$0x3] =	stream.indirect.gather [hbm4b:s1+s14], $0x50, s16, s14, $0xb8;
	[tilespmem:$0x1B440] =	vst v63  }
0x27: {  	_ =	swait.ge [sflag:s13], $0x4E20  }
0x28: {  	[sflag:s13] =	ssyncset.done $0x0  }
0x29: {  	[sflag:s13] =	ssyncadd.s32 $0xFFFFB1E0  }
0x2a: {  	[spmem:s3] =	stream.indirect.scatter.add.f32 [tilespmem:s17], [sflag:$0x2], $0x50, s18, s14, $0xb8;
	[tilespmem:$0x1B440] =	vst v63  }
0x2b: {  	_ =	swait.ge [sflag:s19], $0x4E20  }
0x2c: {  	[sflag:s19] =	ssyncset.done $0x0  }
0x2d: {  	s24 =	simm.s32 $0x200;
	[sflag:s19] =	ssyncadd.s32 $0xFFFFB1E0  }
0x2e: {  	[tilespmem:s15], [sflag:$0x3] =	stream.indirect.gather [hbm4b:s1+s14], $0x50, s24, s14, $0xb8;
	[tilespmem:$0x1B440] =	vst v63  }
0x2f: {  	_ =	swait.ge [sflag:s13], $0x4E20  }
0x30: {  	[sflag:s13] =	ssyncset.done $0x0  }
0x31: {  	s30 =	simm.s32 $0x2A00;
	[sflag:s13] =	ssyncadd.s32 $0xFFFFB1E0  }
0x32: {  	[spmem:s3] =	stream.indirect.scatter.add.f32 [tilespmem:s15], [sflag:$0x1], $0x50, s30, s14, $0xb8;
	[tilespmem:$0x1B440] =	vst v63  }
0x33: {  	_ =	swait.ge [sflag:s20], $0x4E20  }
0x34: {  	[sflag:s20] =	ssyncset.done $0x0  }
0x35: {  	s31 =	simm.s32 $0x300;
	[sflag:s20] =	ssyncadd.s32 $0xFFFFB1E0  }
0x36: {  	[tilespmem:s17], [sflag:$0x3] =	stream.indirect.gather [hbm4b:s1+s14], $0x50, s31, s14, $0xb8;
	[tilespmem:$0x1B440] =	vst v63  }
0x37: {  	_ =	swait.ge [sflag:s13], $0x4E20  }
0x38: {  	[sflag:s13] =	ssyncset.done $0x0  }
0x39: {  	s25 =	simm.s32 $0x2B00;
	s24 =	simm.s32 $0xFFFF7000;
	[sflag:s13] =	ssyncadd.s32 $0xFFFFB1E0  }
.LBB2_2:
0x3a: {  	[spmem:s3] =	stream.indirect.scatter.add.f32 [tilespmem:s17], [sflag:$0x2], $0x50, s25, s14, $0xb8;
	[tilespmem:$0x1B440] =	vst v63  }
0x3b: {  	s25 =	smov.u32 s24  }
0x3c: {  	p0 =	sne.s32 s24, $0xFFFFF800;
	s24 =	sadd.s32 $0x800, s24;
	_ =	swait.ge [sflag:s19], $0x4E20  }
0x3d: {  	s25 =	sshra.s32 s25, $0x2;
	[sflag:s19] =	ssyncset.done $0x0  }
0x3e: {  	s26 =	sadd.s32 $0x2800, s25;
	[sflag:s19] =	ssyncadd.s32 $0xFFFFB1E0  }
0x3f: {  	[tilespmem:s15], [sflag:$0x3] =	stream.indirect.gather [hbm4b:s1+s14], $0x50, s26, s14, $0xb8;
	[tilespmem:$0x1B440] =	vst v63  }
0x40: {  	_ =	swait.ge [sflag:s13], $0x4E20  }
0x41: {  	[sflag:s13] =	ssyncset.done $0x0  }
0x42: {  	s26 =	sadd.s32 $0x5000, s25;
	[sflag:s13] =	ssyncadd.s32 $0xFFFFB1E0  }
0x43: {  	[spmem:s3] =	stream.indirect.scatter.add.f32 [tilespmem:s15], [sflag:$0x1], $0x50, s26, s14, $0xb8;
	[tilespmem:$0x1B440] =	vst v63  }
0x44: {  	_ =	swait.ge [sflag:s20], $0x4E20  }
0x45: {  	[sflag:s20] =	ssyncset.done $0x0  }
.Ltmp0:
0x46: {  	s26 =	sadd.s32 $0x2900, s25;
	[sflag:s20] =	ssyncadd.s32 $0xFFFFB1E0;
	(pc) =	sbr.rel @p0 .LBB2_2-.Ltmp0, $4  }
0x47: {  	[tilespmem:s17], [sflag:$0x3] =	stream.indirect.gather [hbm4b:s1+s14], $0x50, s26, s14, $0xb8;
	[tilespmem:$0x1B440] =	vst v63  }
0x48: {  	_ =	swait.ge [sflag:s13], $0x4E20  }
0x49: {  	[sflag:s13] =	ssyncset.done $0x0  }
0x4a: {  	s25 =	sadd.s32 $0x5100, s25;
	[sflag:s13] =	ssyncadd.s32 $0xFFFFB1E0  }
0x4b: {  	[spmem:s3] =	stream.indirect.scatter.add.f32 [tilespmem:s17], [sflag:$0x2], $0x50, s25, s14, $0xb8;
	[tilespmem:$0x1B440] =	vst v63  }
0x4c: {  	_ =	swait.ge [sflag:s19], $0x4E20  }
0x4d: {  	[sflag:s19] =	ssyncset.done $0x0  }
0x4e: {  	[sflag:s19] =	ssyncadd.s32 $0xFFFFB1E0  }
0x4f: {  	_ =	swait.ge [sflag:s20], $0x4E20  }
0x50: {  	s23 =	sadd.s32 $0x1, s23;
	[sflag:s20] =	ssyncset.done $0x0  }
0x51: {  	p0 =	sne.s32 s23, s10;
	[sflag:s20] =	ssyncadd.s32 $0xFFFFB1E0  }
.Ltmp1:
0x52: {  	[bflag:$0x0] =	sbarrier.arrive $0xFFFF;
	(pc) =	sbr.rel @p0 .LBB2_1-.Ltmp1, $4  }
0x53: {  	[hbm:s9], [sflag:s21] =	dma.local [spmem:s11], $0x1900  }
0x54: {  	_ =	swait.ge [sflag:s22], $0x1900  }
0x55: {  	[sflag:s22] =	ssyncset.done $0x0  }
0x56: {  	[sflag:s22] =	ssyncadd.s32 $0xFFFFE700  }
0x57: {  	_ =	sfence.sel $0x180000  }
0x58: {  	[bflag:$0x0] =	sbarrier.arrive $0xFFFF  }
0x59: {  	p0 =	sne.s32 s2, $0x0;
	_ =	strace $0x90000047  }
0x5a: {  	s0 =	sadd.s32 @!p0 $0x100000, s0;
	[bflag:$0x2] =	sbarrier.arrive $0xFFFF  }
0x5b: {  	[sflag:s0] =	ssyncadd.tile.s32 @!p0 $0x1;
	_ =	shalt  }
.Lfunc_end2:
_tile_overlayer_lowered:
.L_overlay_start_2:
0x5c: {  	(tag) =	ssettag $0x2  }
0x5d: {  	s0 =	rddreg [dreg:$0x0];
	s2 =	stileid.u32  }
0x5e: {  	s1 =	rddreg [dreg:$0x1];
	p0 =	sne.s32 s2, $0x0  }
0x5f: {  	s3 =	rddreg [dreg:$0x2];
	[bflag:$0x3] =	sbarrier.arrive $0xFFFF;
	s2 =	simm.s32 @!p0 $0x1C04  }
0x60: {  	[timem:s3], [sflag:s2] =	dma.local @!p0 [hbm:s0], s1  }
0x61: {  	s0 =	simm.s32 @!p0 $0x4  }
0x62: {  	_ =	swait.ge @!p0 [sflag:s0], s1  }
0x63: {  	s1 =	ssub.s32 @!p0 $0x0, s1;
	[sflag:s0] =	ssyncset.done @!p0 $0x0  }
0x64: {  	[sflag:s0] =	ssyncadd.s32 @!p0 s1  }
0x65: {  	[bflag:$0x3] =	sbarrier.arrive $0xFFFF  }
0x66: {  	_ =	shalt  }

</sc_bundles>
